<compile_context>
chip_gen: v7x
topology: tpu7x:2x2x1
jax: 0.10.2.dev20260603
libtpu: 0.0.44.dev20260713+nightly
codegen_flags: <defaults>
</compile_context>

<pallas_src>
import functools

import jax
import jax.numpy as jnp
import numpy as np
from jax import lax
from jax.experimental import pallas as pl
from jax.experimental.pallas import tpu as pltpu
from jax.experimental.pallas import tpu_sc as plsc

B, N, IN_C, OUT_C = 8, 2048, 64, 64
K, NUM_KERNEL = 20, 16
M = B * N
TD = IN_C + NUM_KERNEL

NC, NS = 2, 16
NW = NC * NS
RPW = (M * K) // NW
SUB = 128
CH = 1024
NSUB = CH // SUB
NCH = RPW // CH
H_RPW = M // NW
H_NSUB = H_RPW // SUB

BM = 512


def _prep_body(f_ref, xp_ref, w2t_ref, w12t_ref, t_ref, h_ref):
    f = f_ref[...]
    g = jnp.dot(f, w2t_ref[...], preferred_element_type=jnp.float32)
    t_ref[...] = jnp.concatenate(
        [g, xp_ref[...], jnp.zeros((f.shape[0], TD - IN_C - 8), jnp.float32)],
        axis=1)
    h_ref[...] = jnp.dot(f, w12t_ref[...], preferred_element_type=jnp.float32)


_PREP_BLK = 2048
_prep_call = pl.pallas_call(
    _prep_body,
    grid=(M // _PREP_BLK,),
    in_specs=[
        pl.BlockSpec((_PREP_BLK, IN_C), lambda i: (i, 0)),
        pl.BlockSpec((_PREP_BLK, 8), lambda i: (i, 0)),
        pl.BlockSpec((IN_C, IN_C), lambda i: (0, 0)),
        pl.BlockSpec((IN_C, IN_C), lambda i: (0, 0)),
    ],
    out_specs=[
        pl.BlockSpec((_PREP_BLK, TD), lambda i: (i, 0)),
        pl.BlockSpec((_PREP_BLK, OUT_C), lambda i: (i, 0)),
    ],
    out_shape=[
        jax.ShapeDtypeStruct((M, TD), jnp.float32),
        jax.ShapeDtypeStruct((M, OUT_C), jnp.float32),
    ],
)


def _sc_gather_body(t_hbm, idx_hbm, h_hbm, idx0_hbm, gout, h0out,
                    idx_v, rows_v, idx0_v, h0_v, sem):
    wid = lax.axis_index("s") * NC + lax.axis_index("c")

    def chunk(gi, carry):
        pltpu.sync_copy(idx_hbm.at[pl.ds(wid * (NCH * NSUB) + gi * NSUB, NSUB)],
                        idx_v)
        copies = []
        for j in range(NSUB):
            copies.append(pltpu.async_copy(
                t_hbm.at[idx_v.at[j]],
                rows_v.at[pl.ds(j * SUB, SUB)], sem))
        for c in copies:
            c.wait()
        pltpu.sync_copy(rows_v, gout.at[pl.ds(wid * RPW + gi * CH, CH)])
        return carry

    lax.fori_loop(0, NCH, chunk, 0)

    pltpu.sync_copy(idx0_hbm.at[pl.ds(wid * H_NSUB, H_NSUB)], idx0_v)
    copies = []
    for j in range(H_NSUB):
        copies.append(pltpu.async_copy(
            h_hbm.at[idx0_v.at[j]],
            h0_v.at[pl.ds(j * SUB, SUB)], sem))
    for c in copies:
        c.wait()
    pltpu.sync_copy(h0_v, h0out.at[pl.ds(wid * H_RPW, H_RPW)])


_sc_gather = functools.partial(
    pl.kernel,
    out_type=[
        jax.ShapeDtypeStruct((M * K, TD), jnp.float32),
        jax.ShapeDtypeStruct((M, OUT_C), jnp.float32),
    ],
    mesh=plsc.VectorSubcoreMesh(core_axis_name="c", subcore_axis_name="s"),
    compiler_params=pltpu.CompilerParams(use_tc_tiling_on_sc=False),
    scratch_types=[
        pltpu.VMEM((NSUB, SUB), jnp.int32),
        pltpu.VMEM((CH, TD), jnp.float32),
        pltpu.VMEM((H_NSUB, SUB), jnp.int32),
        pltpu.VMEM((H_RPW, OUT_C), jnp.float32),
        pltpu.SemaphoreType.DMA,
    ],
)(_sc_gather_body)


def _main_body(gg_ref, h0_ref, b_ref, kp_ref, out_ref, st_ref):
    gg = gg_ref[...]
    xs = gg[:, :, IN_C:IN_C + 8]
    xrel = xs - xs[:, 0:1, :]

    def _rbf(v):
        u = lax.bitcast_convert_type(v, jnp.uint32)
        u = (u + jnp.uint32(0x7FFF) + ((u >> 16) & jnp.uint32(1)))
        u = u & jnp.uint32(0xFFFF0000)
        return lax.bitcast_convert_type(u, jnp.float32)

    xb = _rbf(xrel)
    kb = _rbf(kp_ref[...])
    pmx = (xb[:, :, 0:1] * kb[0:1, :] + xb[:, :, 1:2] * kb[1:2, :]
           + xb[:, :, 2:3] * kb[2:3, :])
    ki = lax.broadcasted_iota(jnp.int32, (1, K, NUM_KERNEL), 1)
    ji = lax.broadcasted_iota(jnp.int32, (1, K, NUM_KERNEL), 2)
    pmx = pmx + jnp.where((ki == 0) & (ji == 0), 1.0, 0.0)
    mx = jnp.max(pmx, axis=1, keepdims=True)
    e = jnp.exp(pmx - mx)
    p = e / jnp.sum(e, axis=1, keepdims=True)
    p = jnp.where(p > 0.1, p, 0.0)
    cs = jnp.sum(p, axis=1)
    pn = p / (cs[:, None, :] + 1e-6)
    cs2 = cs / (cs + 1e-6)

    g = gg[:, :, :IN_C]
    JC = NUM_KERNEL * IN_C
    ji = lax.broadcasted_iota(jnp.int32, (NUM_KERNEL, JC), 0)
    li = lax.broadcasted_iota(jnp.int32, (NUM_KERNEL, JC), 1)
    rep_j = jnp.where(li // IN_C == ji, 1.0, 0.0)
    ci = lax.broadcasted_iota(jnp.int32, (IN_C, JC), 0)
    li2 = lax.broadcasted_iota(jnp.int32, (IN_C, JC), 1)
    rep_c = jnp.where(li2 % IN_C == ci, 1.0, 0.0)

    acc = None
    for kk in range(K):
        pr = jnp.dot(pn[:, kk, :], rep_j, preferred_element_type=jnp.float32)
        gr = jnp.dot(g[:, kk, :], rep_c, preferred_element_type=jnp.float32)
        acc = pr * gr if acc is None else acc + pr * gr
    csr = jnp.dot(cs2, rep_j, preferred_element_type=jnp.float32)
    h0r = jnp.dot(h0_ref[...], rep_c, preferred_element_type=jnp.float32)
    full = h0r * csr + acc
    out = full[:, :IN_C]
    for jj in range(1, NUM_KERNEL):
        out = jnp.maximum(out, full[:, jj * IN_C:(jj + 1) * IN_C])
    out = out + b_ref[...]
    out_ref[...] = out

    s1 = jnp.sum(out, axis=0, keepdims=True)
    s2 = jnp.sum(out * out, axis=0, keepdims=True)
    st = jnp.concatenate([s1, s2, jnp.zeros((6, OUT_C), jnp.float32)], axis=0)

    @pl.when(pl.program_id(0) == 0)
    def _init():
        st_ref[...] = st

    @pl.when(pl.program_id(0) != 0)
    def _acc():
        st_ref[...] = st_ref[...] + st


_main_call = pl.pallas_call(
    _main_body,
    grid=(M // BM,),
    in_specs=[
        pl.BlockSpec((BM, K, TD), lambda i: (i, 0, 0)),
        pl.BlockSpec((BM, OUT_C), lambda i: (i, 0)),
        pl.BlockSpec((1, OUT_C), lambda i: (0, 0)),
        pl.BlockSpec((8, NUM_KERNEL), lambda i: (0, 0)),
    ],
    out_specs=[
        pl.BlockSpec((BM, OUT_C), lambda i: (i, 0)),
        pl.BlockSpec((8, OUT_C), lambda i: (0, 0)),
    ],
    out_shape=[
        jax.ShapeDtypeStruct((M, OUT_C), jnp.float32),
        jax.ShapeDtypeStruct((8, OUT_C), jnp.float32),
    ],
)


def _bn_body(o_ref, f_ref, st_ref, g_ref, bt_ref, out_ref):
    mean = st_ref[0:1, :] / M
    var = st_ref[1:2, :] / M - mean * mean
    rstd = lax.rsqrt(var + 1e-5)
    out_ref[...] = ((o_ref[...] - mean) * (rstd * g_ref[...])
                    + bt_ref[...] + f_ref[...])


_BN_BLK = 2048
_bn_call = pl.pallas_call(
    _bn_body,
    grid=(M // _BN_BLK,),
    in_specs=[
        pl.BlockSpec((_BN_BLK, OUT_C), lambda i: (i, 0)),
        pl.BlockSpec((_BN_BLK, OUT_C), lambda i: (i, 0)),
        pl.BlockSpec((8, OUT_C), lambda i: (0, 0)),
        pl.BlockSpec((1, OUT_C), lambda i: (0, 0)),
        pl.BlockSpec((1, OUT_C), lambda i: (0, 0)),
    ],
    out_specs=pl.BlockSpec((_BN_BLK, OUT_C), lambda i: (i, 0)),
    out_shape=jax.ShapeDtypeStruct((M, OUT_C), jnp.float32),
)

_PERM = (np.arange(2 * IN_C) % 32) * 4 + (np.arange(2 * IN_C) // 32)


def kernel(x, feature, neigh_indexs, kernels, conv_w, conv_b,
           bn_gamma, bn_beta):
    f = jnp.transpose(feature, (0, 2, 1)).reshape(M, IN_C)
    xp = jnp.transpose(x, (0, 2, 1)).reshape(M, 3)
    xp8 = jnp.pad(xp, ((0, 0), (0, 5)))
    kp = jnp.pad(kernels, ((0, 5), (0, 0)))

    wt = conv_w[:, _PERM]
    w1, w2 = wt[:, :IN_C], wt[:, IN_C:]
    w2t = jnp.transpose(w2)
    w12t = jnp.transpose(w1 - w2)

    idxb = (neigh_indexs.astype(jnp.int32)
            + (jnp.arange(B, dtype=jnp.int32) * N)[:, None, None])
    idx2d = idxb.reshape((M * K) // SUB, SUB)
    idx02d = idxb[:, :, 0].reshape(M // SUB, SUB)

    tbl, h = _prep_call(f, xp8, w2t, w12t)
    gg, h0 = _sc_gather(tbl, idx2d, h, idx02d)
    outp, stats = _main_call(gg.reshape(M, K, TD), h0,
                             conv_b.reshape(1, OUT_C), kp)
    fin = _bn_call(outp, f, stats, bn_gamma.reshape(1, OUT_C),
                   bn_beta.reshape(1, OUT_C))
    return jnp.transpose(fin.reshape(B, N, OUT_C), (0, 2, 1))

# --- scband reference (transcript-rebuilt; emitter-appended) ---
"""Pipeline reference for scband-pai-conv-dg-15702400434773 (READ-ONLY COPY).

The authoritative reference and input builder live on the scoring server;
editing this copy changes nothing except your own understanding.
"""

import jax, jax.numpy as jnp
import numpy as np

B, N, IN_C, OUT_C = 8, 2048, 64, 64
K, NUM_KERNEL, DILATION, GROUP = 20, 16, 1, 4

KERNELS = np.array([
    [1.0,0.9239,0.7071,0.3827,0.0,-0.3827,-0.7071,-0.9239,-1.0,-0.9239,-0.7071,-0.3827,0.0,0.3827,0.7071,0.9239],
    [0.0,0.3827,0.7071,0.9239,1.0,0.9239,0.7071,0.3827,0.0,-0.3827,-0.7071,-0.9239,-1.0,-0.9239,-0.7071,-0.3827],
    [0.2,-0.2,0.2,-0.2,0.2,-0.2,0.2,-0.2,0.2,-0.2,0.2,-0.2,0.2,-0.2,0.2,-0.2]], dtype=np.float32)

def topkmax(permatrix):
    p = jax.nn.softmax(permatrix, axis=1)
    return jnp.where(p > 0.1, p, jnp.zeros_like(p))

def setup_inputs(seed: int = 0):
    key = jax.random.key(seed)
    k0, k1, k2, k3, k4 = jax.random.split(key, 5)
    x = jax.random.normal(k0, (B, 3, N), dtype=jnp.float32)
    feature = jax.random.normal(k1, (B, IN_C, N), dtype=jnp.float32)
    neigh_indexs = jax.random.randint(k2, (B, N, K), 0, N, dtype=jnp.int32)
    kernels = jnp.asarray(KERNELS)
    conv_w = jax.random.normal(k3, (OUT_C, 2 * IN_C), dtype=jnp.float32) / np.sqrt(2 * IN_C)
    conv_b = jax.random.normal(k4, (OUT_C,), dtype=jnp.float32) * 0.01
    bn_gamma = jnp.ones((OUT_C,), dtype=jnp.float32)
    bn_beta = jnp.zeros((OUT_C,), dtype=jnp.float32)
    return {"x": x, "feature": feature, "neigh_indexs": neigh_indexs, "kernels": kernels,
            "conv_w": conv_w, "conv_b": conv_b, "bn_gamma": bn_gamma, "bn_beta": bn_beta}

def reference(x, feature, neigh_indexs, kernels, conv_w, conv_b, bn_gamma, bn_beta):
    bsize, num_feat, num_pts = feature.shape
    one_padding = jnp.zeros((K, NUM_KERNEL), dtype=jnp.float32).at[0, 0].set(1.0)
    xp = jnp.transpose(x, (0, 2, 1)).reshape(bsize * num_pts, 3)
    neigh = neigh_indexs[:, :, : K * DILATION : DILATION]
    idx_base = jnp.arange(bsize, dtype=neigh.dtype).reshape(-1, 1, 1) * num_pts
    neigh = (neigh + idx_base).reshape(-1)
    x_neighs = jnp.take(xp, neigh, axis=0).reshape(bsize * num_pts, K, 3)
    x_relative = x_neighs - x_neighs[:, 0:1, :]
    feats = jnp.transpose(feature, (0, 2, 1)).reshape(bsize * num_pts, num_feat)
    feats = jnp.take(feats, neigh, axis=0).reshape(bsize * num_pts, K, num_feat)
    feats = jnp.transpose(feats, (0, 2, 1))
    f_repeat = jnp.broadcast_to(feats[:, :, 0:1], feats.shape)
    f_relative = feats - f_repeat
    feats = jnp.concatenate([f_repeat, f_relative], axis=1)
    permatrix = jnp.matmul(x_relative, kernels) + one_padding
    permatrix = topkmax(permatrix)
    nf2 = num_feat * 2
    if nf2 > 2 * 3:
        feats = feats.reshape(bsize * num_pts, GROUP, nf2 // GROUP, -1)
        feats = jnp.transpose(feats, (0, 2, 1, 3)).reshape(bsize * num_pts, nf2, -1)
    permatrix = permatrix / (jnp.sum(permatrix, axis=1, keepdims=True) + 1e-6)
    feats = jnp.matmul(feats, permatrix)
    feats = feats.reshape(bsize * num_pts, nf2, NUM_KERNEL)
    conv_out = jnp.einsum('oc,nck->nok', conv_w, feats) + conv_b[None, :, None]
    out_feat = jnp.max(conv_out, axis=-1)
    out_feat = jnp.transpose(out_feat.reshape(bsize, num_pts, -1), (0, 2, 1))
    mean = jnp.mean(out_feat, axis=(0, 2), keepdims=True)
    var = jnp.var(out_feat, axis=(0, 2), keepdims=True)
    out_feat = (out_feat - mean) / jnp.sqrt(var + 1e-5)
    out_feat = out_feat * bn_gamma[None, :, None] + bn_beta[None, :, None]
    out_feat = out_feat + feature
    return out_feat

if __name__ == "__main__":
    import jax
    _d = setup_inputs()
    print(jax.jit(kernel)(*tuple(_d.values())))

</pallas_src>

<mosaic_0001>
#map = affine_map<(d0, d1) -> (0, 0)>
module attributes {stable_mosaic.version = 14 : i64} {
  func.func @_sc_gather_body(%arg0: i32, %arg1: i32, %arg2: memref<16384x80xf32, #tpu.memory_space<hbm>>, %arg3: memref<2560x128xi32, #tpu.memory_space<hbm>>, %arg4: memref<16384x64xf32, #tpu.memory_space<hbm>>, %arg5: memref<128x128xi32, #tpu.memory_space<hbm>>, %arg6: memref<327680x80xf32, #tpu.memory_space<hbm>>, %arg7: memref<16384x64xf32, #tpu.memory_space<hbm>>, %arg8: memref<8x128xi32, #tpu.memory_space<vmem>>, %arg9: memref<1024x80xf32, #tpu.memory_space<vmem>>, %arg10: memref<4x128xi32, #tpu.memory_space<vmem>>, %arg11: memref<512x64xf32, #tpu.memory_space<vmem>>, %arg12: memref<!tpu.dma_semaphore, #tpu.memory_space<semaphore_mem>>) attributes {dimension_semantics = [#tpu.dimension_semantics<core_parallel>, #tpu.dimension_semantics<subcore_parallel>], iteration_bounds = array<i64: 2, 16>, scalar_prefetch = 0 : i64, scratch_operands = 5 : i64, tpu.core_type = #tpu.core_type<sc_vector_subcore>, window_params = [{transform_indices = #map}, {transform_indices = #map}, {transform_indices = #map}, {transform_indices = #map}, {transform_indices = #map}, {transform_indices = #map}]} {
    %mul3A = arith.constant 2 : i32
    %mul3A_0 = arith.muli %arg1, %mul3A : i32
    %add3A = arith.addi %mul3A_0, %arg0 : i32
    %scan3A = arith.constant 0 : i32
    %scan3A_1 = arith.constant 0 : i32
    %scan3A_2 = arith.constant 10 : i32
    %scan3A_3 = arith.addi %scan3A_1, %scan3A_2 : i32
    %scan3A_4 = arith.constant 1 : i32
    scf.for %scan3A_88 = %scan3A_1 to %scan3A_3 step %scan3A_4  : i32 {
      %mul3A_89 = arith.constant 80 : i32
      %mul3A_90 = arith.muli %add3A, %mul3A_89 : i32
      %mul3A_91 = arith.constant 8 : i32
      %mul3A_92 = arith.muli %scan3A_88, %mul3A_91 : i32
      %add3A_93 = arith.addi %mul3A_90, %mul3A_92 : i32
      "tpu.region"() ({
        %run_scoped3A = tpu.sem_alloc : memref<!tpu.dma_semaphore, #tpu.memory_space<semaphore_mem>>
        %dma_start3A_259 = arith.constant 0 : i32
        %dma_start3A_260 = tpu.memref_slice %arg3[%add3A_93, %dma_start3A_259] : memref<2560x128xi32, #tpu.memory_space<hbm>> -> memref<8x128xi32, #tpu.memory_space<hbm>>
        %dma_start3A_261 = arith.constant 0 : i32
        %dma_start3A_262 = tpu.memref_slice %arg3[%add3A_93, %dma_start3A_261] : memref<2560x128xi32, #tpu.memory_space<hbm>> -> memref<8x128xi32, #tpu.memory_space<hbm>>
        tpu.enqueue_dma source(%dma_start3A_262 : memref<8x128xi32, #tpu.memory_space<hbm>>) target(%arg8 : memref<8x128xi32, #tpu.memory_space<vmem>>) target_semaphore(%run_scoped3A : memref<!tpu.dma_semaphore, #tpu.memory_space<semaphore_mem>>)
        %dma_wait3A_263 = arith.constant 0 : i32
        %dma_wait3A_264 = tpu.memref_slice %arg3[%add3A_93, %dma_wait3A_263] : memref<2560x128xi32, #tpu.memory_space<hbm>> -> memref<8x128xi32, #tpu.memory_space<hbm>>
        %dma_wait3A_265 = arith.constant 0 : i32
        %dma_wait3A_266 = tpu.memref_slice %arg3[%add3A_93, %dma_wait3A_265] : memref<2560x128xi32, #tpu.memory_space<hbm>> -> memref<8x128xi32, #tpu.memory_space<hbm>>
        tpu.wait_dma2 semaphore(%run_scoped3A : memref<!tpu.dma_semaphore, #tpu.memory_space<semaphore_mem>>) src(%dma_wait3A_266 : memref<8x128xi32, #tpu.memory_space<hbm>>) dst(%arg8 : memref<8x128xi32, #tpu.memory_space<vmem>>)
        tpu.yield
      }) : () -> ()
      %dma_start3A_94 = arith.constant 0 : i32
      %dma_start3A_95 = arith.constant 0 : i32
      %dma_start3A_96 = arith.constant 0 : i32
      %dma_start3A_97 = tpu.memref_slice %arg9[%dma_start3A_95, %dma_start3A_96] : memref<1024x80xf32, #tpu.memory_space<vmem>> -> memref<128x80xf32, #tpu.memory_space<vmem>>
      %dma_start3A_98 = arith.constant 0 : i32
      %dma_start3A_99 = tpu.memref_slice %arg8[%dma_start3A_94, %dma_start3A_98] : memref<8x128xi32, #tpu.memory_space<vmem>> -> memref<1x128xi32, #tpu.memory_space<vmem>>
      %dma_start3A_100 = tpu.memref_squeeze %dma_start3A_99 : memref<1x128xi32, #tpu.memory_space<vmem>> -> memref<128xi32, #tpu.memory_space<vmem>>
      %dma_start3A_101 = arith.constant 0 : i32
      %dma_start3A_102 = arith.constant 0 : i32
      %dma_start3A_103 = tpu.memref_slice %arg2[%dma_start3A_101, %dma_start3A_102] : memref<16384x80xf32, #tpu.memory_space<hbm>> -> memref<16384x80xf32, #tpu.memory_space<hbm>>
      tpu.enqueue_indirect_dma source(%dma_start3A_103 : memref<16384x80xf32, #tpu.memory_space<hbm>>) target(%dma_start3A_97 : memref<128x80xf32, #tpu.memory_space<vmem>>) offsets(%dma_start3A_100 : memref<128xi32, #tpu.memory_space<vmem>>) semaphore(%arg12 : memref<!tpu.dma_semaphore, #tpu.memory_space<semaphore_mem>>)
      %dma_start3A_104 = arith.constant 1 : i32
      %dma_start3A_105 = arith.constant 128 : i32
      %dma_start3A_106 = arith.constant 0 : i32
      %dma_start3A_107 = tpu.memref_slice %arg9[%dma_start3A_105, %dma_start3A_106] : memref<1024x80xf32, #tpu.memory_space<vmem>> -> memref<128x80xf32, #tpu.memory_space<vmem>>
      %dma_start3A_108 = arith.constant 0 : i32
      %dma_start3A_109 = tpu.memref_slice %arg8[%dma_start3A_104, %dma_start3A_108] : memref<8x128xi32, #tpu.memory_space<vmem>> -> memref<1x128xi32, #tpu.memory_space<vmem>>
      %dma_start3A_110 = tpu.memref_squeeze %dma_start3A_109 : memref<1x128xi32, #tpu.memory_space<vmem>> -> memref<128xi32, #tpu.memory_space<vmem>>
      %dma_start3A_111 = arith.constant 0 : i32
      %dma_start3A_112 = arith.constant 0 : i32
      %dma_start3A_113 = tpu.memref_slice %arg2[%dma_start3A_111, %dma_start3A_112] : memref<16384x80xf32, #tpu.memory_space<hbm>> -> memref<16384x80xf32, #tpu.memory_space<hbm>>
      tpu.enqueue_indirect_dma source(%dma_start3A_113 : memref<16384x80xf32, #tpu.memory_space<hbm>>) target(%dma_start3A_107 : memref<128x80xf32, #tpu.memory_space<vmem>>) offsets(%dma_start3A_110 : memref<128xi32, #tpu.memory_space<vmem>>) semaphore(%arg12 : memref<!tpu.dma_semaphore, #tpu.memory_space<semaphore_mem>>)
      %dma_start3A_114 = arith.constant 2 : i32
      %dma_start3A_115 = arith.constant 256 : i32
      %dma_start3A_116 = arith.constant 0 : i32
      %dma_start3A_117 = tpu.memref_slice %arg9[%dma_start3A_115, %dma_start3A_116] : memref<1024x80xf32, #tpu.memory_space<vmem>> -> memref<128x80xf32, #tpu.memory_space<vmem>>
      %dma_start3A_118 = arith.constant 0 : i32
      %dma_start3A_119 = tpu.memref_slice %arg8[%dma_start3A_114, %dma_start3A_118] : memref<8x128xi32, #tpu.memory_space<vmem>> -> memref<1x128xi32, #tpu.memory_space<vmem>>
      %dma_start3A_120 = tpu.memref_squeeze %dma_start3A_119 : memref<1x128xi32, #tpu.memory_space<vmem>> -> memref<128xi32, #tpu.memory_space<vmem>>
      %dma_start3A_121 = arith.constant 0 : i32
      %dma_start3A_122 = arith.constant 0 : i32
      %dma_start3A_123 = tpu.memref_slice %arg2[%dma_start3A_121, %dma_start3A_122] : memref<16384x80xf32, #tpu.memory_space<hbm>> -> memref<16384x80xf32, #tpu.memory_space<hbm>>
      tpu.enqueue_indirect_dma source(%dma_start3A_123 : memref<16384x80xf32, #tpu.memory_space<hbm>>) target(%dma_start3A_117 : memref<128x80xf32, #tpu.memory_space<vmem>>) offsets(%dma_start3A_120 : memref<128xi32, #tpu.memory_space<vmem>>) semaphore(%arg12 : memref<!tpu.dma_semaphore, #tpu.memory_space<semaphore_mem>>)
      %dma_start3A_124 = arith.constant 3 : i32
      %dma_start3A_125 = arith.constant 384 : i32
      %dma_start3A_126 = arith.constant 0 : i32
      %dma_start3A_127 = tpu.memref_slice %arg9[%dma_start3A_125, %dma_start3A_126] : memref<1024x80xf32, #tpu.memory_space<vmem>> -> memref<128x80xf32, #tpu.memory_space<vmem>>
      %dma_start3A_128 = arith.constant 0 : i32
      %dma_start3A_129 = tpu.memref_slice %arg8[%dma_start3A_124, %dma_start3A_128] : memref<8x128xi32, #tpu.memory_space<vmem>> -> memref<1x128xi32, #tpu.memory_space<vmem>>
      %dma_start3A_130 = tpu.memref_squeeze %dma_start3A_129 : memref<1x128xi32, #tpu.memory_space<vmem>> -> memref<128xi32, #tpu.memory_space<vmem>>
      %dma_start3A_131 = arith.constant 0 : i32
      %dma_start3A_132 = arith.constant 0 : i32
      %dma_start3A_133 = tpu.memref_slice %arg2[%dma_start3A_131, %dma_start3A_132] : memref<16384x80xf32, #tpu.memory_space<hbm>> -> memref<16384x80xf32, #tpu.memory_space<hbm>>
      tpu.enqueue_indirect_dma source(%dma_start3A_133 : memref<16384x80xf32, #tpu.memory_space<hbm>>) target(%dma_start3A_127 : memref<128x80xf32, #tpu.memory_space<vmem>>) offsets(%dma_start3A_130 : memref<128xi32, #tpu.memory_space<vmem>>) semaphore(%arg12 : memref<!tpu.dma_semaphore, #tpu.memory_space<semaphore_mem>>)
      %dma_start3A_134 = arith.constant 4 : i32
      %dma_start3A_135 = arith.constant 512 : i32
      %dma_start3A_136 = arith.constant 0 : i32
      %dma_start3A_137 = tpu.memref_slice %arg9[%dma_start3A_135, %dma_start3A_136] : memref<1024x80xf32, #tpu.memory_space<vmem>> -> memref<128x80xf32, #tpu.memory_space<vmem>>
      %dma_start3A_138 = arith.constant 0 : i32
      %dma_start3A_139 = tpu.memref_slice %arg8[%dma_start3A_134, %dma_start3A_138] : memref<8x128xi32, #tpu.memory_space<vmem>> -> memref<1x128xi32, #tpu.memory_space<vmem>>
      %dma_start3A_140 = tpu.memref_squeeze %dma_start3A_139 : memref<1x128xi32, #tpu.memory_space<vmem>> -> memref<128xi32, #tpu.memory_space<vmem>>
      %dma_start3A_141 = arith.constant 0 : i32
      %dma_start3A_142 = arith.constant 0 : i32
      %dma_start3A_143 = tpu.memref_slice %arg2[%dma_start3A_141, %dma_start3A_142] : memref<16384x80xf32, #tpu.memory_space<hbm>> -> memref<16384x80xf32, #tpu.memory_space<hbm>>
      tpu.enqueue_indirect_dma source(%dma_start3A_143 : memref<16384x80xf32, #tpu.memory_space<hbm>>) target(%dma_start3A_137 : memref<128x80xf32, #tpu.memory_space<vmem>>) offsets(%dma_start3A_140 : memref<128xi32, #tpu.memory_space<vmem>>) semaphore(%arg12 : memref<!tpu.dma_semaphore, #tpu.memory_space<semaphore_mem>>)
      %dma_start3A_144 = arith.constant 5 : i32
      %dma_start3A_145 = arith.constant 640 : i32
      %dma_start3A_146 = arith.constant 0 : i32
      %dma_start3A_147 = tpu.memref_slice %arg9[%dma_start3A_145, %dma_start3A_146] : memref<1024x80xf32, #tpu.memory_space<vmem>> -> memref<128x80xf32, #tpu.memory_space<vmem>>
      %dma_start3A_148 = arith.constant 0 : i32
      %dma_start3A_149 = tpu.memref_slice %arg8[%dma_start3A_144, %dma_start3A_148] : memref<8x128xi32, #tpu.memory_space<vmem>> -> memref<1x128xi32, #tpu.memory_space<vmem>>
      %dma_start3A_150 = tpu.memref_squeeze %dma_start3A_149 : memref<1x128xi32, #tpu.memory_space<vmem>> -> memref<128xi32, #tpu.memory_space<vmem>>
      %dma_start3A_151 = arith.constant 0 : i32
      %dma_start3A_152 = arith.constant 0 : i32
      %dma_start3A_153 = tpu.memref_slice %arg2[%dma_start3A_151, %dma_start3A_152] : memref<16384x80xf32, #tpu.memory_space<hbm>> -> memref<16384x80xf32, #tpu.memory_space<hbm>>
      tpu.enqueue_indirect_dma source(%dma_start3A_153 : memref<16384x80xf32, #tpu.memory_space<hbm>>) target(%dma_start3A_147 : memref<128x80xf32, #tpu.memory_space<vmem>>) offsets(%dma_start3A_150 : memref<128xi32, #tpu.memory_space<vmem>>) semaphore(%arg12 : memref<!tpu.dma_semaphore, #tpu.memory_space<semaphore_mem>>)
      %dma_start3A_154 = arith.constant 6 : i32
      %dma_start3A_155 = arith.constant 768 : i32
      %dma_start3A_156 = arith.constant 0 : i32
      %dma_start3A_157 = tpu.memref_slice %arg9[%dma_start3A_155, %dma_start3A_156] : memref<1024x80xf32, #tpu.memory_space<vmem>> -> memref<128x80xf32, #tpu.memory_space<vmem>>
      %dma_start3A_158 = arith.constant 0 : i32
      %dma_start3A_159 = tpu.memref_slice %arg8[%dma_start3A_154, %dma_start3A_158] : memref<8x128xi32, #tpu.memory_space<vmem>> -> memref<1x128xi32, #tpu.memory_space<vmem>>
      %dma_start3A_160 = tpu.memref_squeeze %dma_start3A_159 : memref<1x128xi32, #tpu.memory_space<vmem>> -> memref<128xi32, #tpu.memory_space<vmem>>
      %dma_start3A_161 = arith.constant 0 : i32
      %dma_start3A_162 = arith.constant 0 : i32
      %dma_start3A_163 = tpu.memref_slice %arg2[%dma_start3A_161, %dma_start3A_162] : memref<16384x80xf32, #tpu.memory_space<hbm>> -> memref<16384x80xf32, #tpu.memory_space<hbm>>
      tpu.enqueue_indirect_dma source(%dma_start3A_163 : memref<16384x80xf32, #tpu.memory_space<hbm>>) target(%dma_start3A_157 : memref<128x80xf32, #tpu.memory_space<vmem>>) offsets(%dma_start3A_160 : memref<128xi32, #tpu.memory_space<vmem>>) semaphore(%arg12 : memref<!tpu.dma_semaphore, #tpu.memory_space<semaphore_mem>>)
      %dma_start3A_164 = arith.constant 7 : i32
      %dma_start3A_165 = arith.constant 896 : i32
      %dma_start3A_166 = arith.constant 0 : i32
      %dma_start3A_167 = tpu.memref_slice %arg9[%dma_start3A_165, %dma_start3A_166] : memref<1024x80xf32, #tpu.memory_space<vmem>> -> memref<128x80xf32, #tpu.memory_space<vmem>>
      %dma_start3A_168 = arith.constant 0 : i32
      %dma_start3A_169 = tpu.memref_slice %arg8[%dma_start3A_164, %dma_start3A_168] : memref<8x128xi32, #tpu.memory_space<vmem>> -> memref<1x128xi32, #tpu.memory_space<vmem>>
      %dma_start3A_170 = tpu.memref_squeeze %dma_start3A_169 : memref<1x128xi32, #tpu.memory_space<vmem>> -> memref<128xi32, #tpu.memory_space<vmem>>
      %dma_start3A_171 = arith.constant 0 : i32
      %dma_start3A_172 = arith.constant 0 : i32
      %dma_start3A_173 = tpu.memref_slice %arg2[%dma_start3A_171, %dma_start3A_172] : memref<16384x80xf32, #tpu.memory_space<hbm>> -> memref<16384x80xf32, #tpu.memory_space<hbm>>
      tpu.enqueue_indirect_dma source(%dma_start3A_173 : memref<16384x80xf32, #tpu.memory_space<hbm>>) target(%dma_start3A_167 : memref<128x80xf32, #tpu.memory_space<vmem>>) offsets(%dma_start3A_170 : memref<128xi32, #tpu.memory_space<vmem>>) semaphore(%arg12 : memref<!tpu.dma_semaphore, #tpu.memory_space<semaphore_mem>>)
      %dma_wait3A_174 = arith.constant 0 : i32
      %dma_wait3A_175 = arith.constant 0 : i32
      %dma_wait3A_176 = arith.constant 0 : i32
      %dma_wait3A_177 = tpu.memref_slice %arg9[%dma_wait3A_175, %dma_wait3A_176] : memref<1024x80xf32, #tpu.memory_space<vmem>> -> memref<128x80xf32, #tpu.memory_space<vmem>>
      %dma_wait3A_178 = arith.constant 0 : i32
      %dma_wait3A_179 = tpu.memref_slice %arg8[%dma_wait3A_174, %dma_wait3A_178] : memref<8x128xi32, #tpu.memory_space<vmem>> -> memref<1x128xi32, #tpu.memory_space<vmem>>
      %dma_wait3A_180 = tpu.memref_squeeze %dma_wait3A_179 : memref<1x128xi32, #tpu.memory_space<vmem>> -> memref<128xi32, #tpu.memory_space<vmem>>
      %dma_wait3A_181 = arith.constant 0 : i32
      %dma_wait3A_182 = arith.constant 0 : i32
      %dma_wait3A_183 = tpu.memref_slice %arg2[%dma_wait3A_181, %dma_wait3A_182] : memref<16384x80xf32, #tpu.memory_space<hbm>> -> memref<16384x80xf32, #tpu.memory_space<hbm>>
      tpu.wait_indirect_dma semaphore(%arg12 : memref<!tpu.dma_semaphore, #tpu.memory_space<semaphore_mem>>) src(%dma_wait3A_183 : memref<16384x80xf32, #tpu.memory_space<hbm>>) dst(%dma_wait3A_177 : memref<128x80xf32, #tpu.memory_space<vmem>>)
      %dma_wait3A_184 = arith.constant 1 : i32
      %dma_wait3A_185 = arith.constant 128 : i32
      %dma_wait3A_186 = arith.constant 0 : i32
      %dma_wait3A_187 = tpu.memref_slice %arg9[%dma_wait3A_185, %dma_wait3A_186] : memref<1024x80xf32, #tpu.memory_space<vmem>> -> memref<128x80xf32, #tpu.memory_space<vmem>>
      %dma_wait3A_188 = arith.constant 0 : i32
      %dma_wait3A_189 = tpu.memref_slice %arg8[%dma_wait3A_184, %dma_wait3A_188] : memref<8x128xi32, #tpu.memory_space<vmem>> -> memref<1x128xi32, #tpu.memory_space<vmem>>
      %dma_wait3A_190 = tpu.memref_squeeze %dma_wait3A_189 : memref<1x128xi32, #tpu.memory_space<vmem>> -> memref<128xi32, #tpu.memory_space<vmem>>
      %dma_wait3A_191 = arith.constant 0 : i32
      %dma_wait3A_192 = arith.constant 0 : i32
      %dma_wait3A_193 = tpu.memref_slice %arg2[%dma_wait3A_191, %dma_wait3A_192] : memref<16384x80xf32, #tpu.memory_space<hbm>> -> memref<16384x80xf32, #tpu.memory_space<hbm>>
      tpu.wait_indirect_dma semaphore(%arg12 : memref<!tpu.dma_semaphore, #tpu.memory_space<semaphore_mem>>) src(%dma_wait3A_193 : memref<16384x80xf32, #tpu.memory_space<hbm>>) dst(%dma_wait3A_187 : memref<128x80xf32, #tpu.memory_space<vmem>>)
      %dma_wait3A_194 = arith.constant 2 : i32
      %dma_wait3A_195 = arith.constant 256 : i32
      %dma_wait3A_196 = arith.constant 0 : i32
      %dma_wait3A_197 = tpu.memref_slice %arg9[%dma_wait3A_195, %dma_wait3A_196] : memref<1024x80xf32, #tpu.memory_space<vmem>> -> memref<128x80xf32, #tpu.memory_space<vmem>>
      %dma_wait3A_198 = arith.constant 0 : i32
      %dma_wait3A_199 = tpu.memref_slice %arg8[%dma_wait3A_194, %dma_wait3A_198] : memref<8x128xi32, #tpu.memory_space<vmem>> -> memref<1x128xi32, #tpu.memory_space<vmem>>
      %dma_wait3A_200 = tpu.memref_squeeze %dma_wait3A_199 : memref<1x128xi32, #tpu.memory_space<vmem>> -> memref<128xi32, #tpu.memory_space<vmem>>
      %dma_wait3A_201 = arith.constant 0 : i32
      %dma_wait3A_202 = arith.constant 0 : i32
      %dma_wait3A_203 = tpu.memref_slice %arg2[%dma_wait3A_201, %dma_wait3A_202] : memref<16384x80xf32, #tpu.memory_space<hbm>> -> memref<16384x80xf32, #tpu.memory_space<hbm>>
      tpu.wait_indirect_dma semaphore(%arg12 : memref<!tpu.dma_semaphore, #tpu.memory_space<semaphore_mem>>) src(%dma_wait3A_203 : memref<16384x80xf32, #tpu.memory_space<hbm>>) dst(%dma_wait3A_197 : memref<128x80xf32, #tpu.memory_space<vmem>>)
      %dma_wait3A_204 = arith.constant 3 : i32
      %dma_wait3A_205 = arith.constant 384 : i32
      %dma_wait3A_206 = arith.constant 0 : i32
      %dma_wait3A_207 = tpu.memref_slice %arg9[%dma_wait3A_205, %dma_wait3A_206] : memref<1024x80xf32, #tpu.memory_space<vmem>> -> memref<128x80xf32, #tpu.memory_space<vmem>>
      %dma_wait3A_208 = arith.constant 0 : i32
      %dma_wait3A_209 = tpu.memref_slice %arg8[%dma_wait3A_204, %dma_wait3A_208] : memref<8x128xi32, #tpu.memory_space<vmem>> -> memref<1x128xi32, #tpu.memory_space<vmem>>
      %dma_wait3A_210 = tpu.memref_squeeze %dma_wait3A_209 : memref<1x128xi32, #tpu.memory_space<vmem>> -> memref<128xi32, #tpu.memory_space<vmem>>
      %dma_wait3A_211 = arith.constant 0 : i32
      %dma_wait3A_212 = arith.constant 0 : i32
      %dma_wait3A_213 = tpu.memref_slice %arg2[%dma_wait3A_211, %dma_wait3A_212] : memref<16384x80xf32, #tpu.memory_space<hbm>> -> memref<16384x80xf32, #tpu.memory_space<hbm>>
      tpu.wait_indirect_dma semaphore(%arg12 : memref<!tpu.dma_semaphore, #tpu.memory_space<semaphore_mem>>) src(%dma_wait3A_213 : memref<16384x80xf32, #tpu.memory_space<hbm>>) dst(%dma_wait3A_207 : memref<128x80xf32, #tpu.memory_space<vmem>>)
      %dma_wait3A_214 = arith.constant 4 : i32
      %dma_wait3A_215 = arith.constant 512 : i32
      %dma_wait3A_216 = arith.constant 0 : i32
      %dma_wait3A_217 = tpu.memref_slice %arg9[%dma_wait3A_215, %dma_wait3A_216] : memref<1024x80xf32, #tpu.memory_space<vmem>> -> memref<128x80xf32, #tpu.memory_space<vmem>>
      %dma_wait3A_218 = arith.constant 0 : i32
      %dma_wait3A_219 = tpu.memref_slice %arg8[%dma_wait3A_214, %dma_wait3A_218] : memref<8x128xi32, #tpu.memory_space<vmem>> -> memref<1x128xi32, #tpu.memory_space<vmem>>
      %dma_wait3A_220 = tpu.memref_squeeze %dma_wait3A_219 : memref<1x128xi32, #tpu.memory_space<vmem>> -> memref<128xi32, #tpu.memory_space<vmem>>
      %dma_wait3A_221 = arith.constant 0 : i32
      %dma_wait3A_222 = arith.constant 0 : i32
      %dma_wait3A_223 = tpu.memref_slice %arg2[%dma_wait3A_221, %dma_wait3A_222] : memref<16384x80xf32, #tpu.memory_space<hbm>> -> memref<16384x80xf32, #tpu.memory_space<hbm>>
      tpu.wait_indirect_dma semaphore(%arg12 : memref<!tpu.dma_semaphore, #tpu.memory_space<semaphore_mem>>) src(%dma_wait3A_223 : memref<16384x80xf32, #tpu.memory_space<hbm>>) dst(%dma_wait3A_217 : memref<128x80xf32, #tpu.memory_space<vmem>>)
      %dma_wait3A_224 = arith.constant 5 : i32
      %dma_wait3A_225 = arith.constant 640 : i32
      %dma_wait3A_226 = arith.constant 0 : i32
      %dma_wait3A_227 = tpu.memref_slice %arg9[%dma_wait3A_225, %dma_wait3A_226] : memref<1024x80xf32, #tpu.memory_space<vmem>> -> memref<128x80xf32, #tpu.memory_space<vmem>>
      %dma_wait3A_228 = arith.constant 0 : i32
      %dma_wait3A_229 = tpu.memref_slice %arg8[%dma_wait3A_224, %dma_wait3A_228] : memref<8x128xi32, #tpu.memory_space<vmem>> -> memref<1x128xi32, #tpu.memory_space<vmem>>
      %dma_wait3A_230 = tpu.memref_squeeze %dma_wait3A_229 : memref<1x128xi32, #tpu.memory_space<vmem>> -> memref<128xi32, #tpu.memory_space<vmem>>
      %dma_wait3A_231 = arith.constant 0 : i32
      %dma_wait3A_232 = arith.constant 0 : i32
      %dma_wait3A_233 = tpu.memref_slice %arg2[%dma_wait3A_231, %dma_wait3A_232] : memref<16384x80xf32, #tpu.memory_space<hbm>> -> memref<16384x80xf32, #tpu.memory_space<hbm>>
      tpu.wait_indirect_dma semaphore(%arg12 : memref<!tpu.dma_semaphore, #tpu.memory_space<semaphore_mem>>) src(%dma_wait3A_233 : memref<16384x80xf32, #tpu.memory_space<hbm>>) dst(%dma_wait3A_227 : memref<128x80xf32, #tpu.memory_space<vmem>>)
      %dma_wait3A_234 = arith.constant 6 : i32
      %dma_wait3A_235 = arith.constant 768 : i32
      %dma_wait3A_236 = arith.constant 0 : i32
      %dma_wait3A_237 = tpu.memref_slice %arg9[%dma_wait3A_235, %dma_wait3A_236] : memref<1024x80xf32, #tpu.memory_space<vmem>> -> memref<128x80xf32, #tpu.memory_space<vmem>>
      %dma_wait3A_238 = arith.constant 0 : i32
      %dma_wait3A_239 = tpu.memref_slice %arg8[%dma_wait3A_234, %dma_wait3A_238] : memref<8x128xi32, #tpu.memory_space<vmem>> -> memref<1x128xi32, #tpu.memory_space<vmem>>
      %dma_wait3A_240 = tpu.memref_squeeze %dma_wait3A_239 : memref<1x128xi32, #tpu.memory_space<vmem>> -> memref<128xi32, #tpu.memory_space<vmem>>
      %dma_wait3A_241 = arith.constant 0 : i32
      %dma_wait3A_242 = arith.constant 0 : i32
      %dma_wait3A_243 = tpu.memref_slice %arg2[%dma_wait3A_241, %dma_wait3A_242] : memref<16384x80xf32, #tpu.memory_space<hbm>> -> memref<16384x80xf32, #tpu.memory_space<hbm>>
      tpu.wait_indirect_dma semaphore(%arg12 : memref<!tpu.dma_semaphore, #tpu.memory_space<semaphore_mem>>) src(%dma_wait3A_243 : memref<16384x80xf32, #tpu.memory_space<hbm>>) dst(%dma_wait3A_237 : memref<128x80xf32, #tpu.memory_space<vmem>>)
      %dma_wait3A_244 = arith.constant 7 : i32
      %dma_wait3A_245 = arith.constant 896 : i32
      %dma_wait3A_246 = arith.constant 0 : i32
      %dma_wait3A_247 = tpu.memref_slice %arg9[%dma_wait3A_245, %dma_wait3A_246] : memref<1024x80xf32, #tpu.memory_space<vmem>> -> memref<128x80xf32, #tpu.memory_space<vmem>>
      %dma_wait3A_248 = arith.constant 0 : i32
      %dma_wait3A_249 = tpu.memref_slice %arg8[%dma_wait3A_244, %dma_wait3A_248] : memref<8x128xi32, #tpu.memory_space<vmem>> -> memref<1x128xi32, #tpu.memory_space<vmem>>
      %dma_wait3A_250 = tpu.memref_squeeze %dma_wait3A_249 : memref<1x128xi32, #tpu.memory_space<vmem>> -> memref<128xi32, #tpu.memory_space<vmem>>
      %dma_wait3A_251 = arith.constant 0 : i32
      %dma_wait3A_252 = arith.constant 0 : i32
      %dma_wait3A_253 = tpu.memref_slice %arg2[%dma_wait3A_251, %dma_wait3A_252] : memref<16384x80xf32, #tpu.memory_space<hbm>> -> memref<16384x80xf32, #tpu.memory_space<hbm>>
      tpu.wait_indirect_dma semaphore(%arg12 : memref<!tpu.dma_semaphore, #tpu.memory_space<semaphore_mem>>) src(%dma_wait3A_253 : memref<16384x80xf32, #tpu.memory_space<hbm>>) dst(%dma_wait3A_247 : memref<128x80xf32, #tpu.memory_space<vmem>>)
      %mul3A_254 = arith.constant 10240 : i32
      %mul3A_255 = arith.muli %add3A, %mul3A_254 : i32
      %mul3A_256 = arith.constant 1024 : i32
      %mul3A_257 = arith.muli %scan3A_88, %mul3A_256 : i32
      %add3A_258 = arith.addi %mul3A_255, %mul3A_257 : i32
      "tpu.region"() ({
        %run_scoped3A = tpu.sem_alloc : memref<!tpu.dma_semaphore, #tpu.memory_space<semaphore_mem>>
        %dma_start3A_259 = arith.constant 0 : i32
        %dma_start3A_260 = tpu.memref_slice %arg6[%add3A_258, %dma_start3A_259] : memref<327680x80xf32, #tpu.memory_space<hbm>> -> memref<1024x80xf32, #tpu.memory_space<hbm>>
        %dma_start3A_261 = arith.constant 0 : i32
        %dma_start3A_262 = tpu.memref_slice %arg6[%add3A_258, %dma_start3A_261] : memref<327680x80xf32, #tpu.memory_space<hbm>> -> memref<1024x80xf32, #tpu.memory_space<hbm>>
        tpu.enqueue_dma source(%arg9 : memref<1024x80xf32, #tpu.memory_space<vmem>>) target(%dma_start3A_262 : memref<1024x80xf32, #tpu.memory_space<hbm>>) target_semaphore(%run_scoped3A : memref<!tpu.dma_semaphore, #tpu.memory_space<semaphore_mem>>)
        %dma_wait3A_263 = arith.constant 0 : i32
        %dma_wait3A_264 = tpu.memref_slice %arg6[%add3A_258, %dma_wait3A_263] : memref<327680x80xf32, #tpu.memory_space<hbm>> -> memref<1024x80xf32, #tpu.memory_space<hbm>>
        %dma_wait3A_265 = arith.constant 0 : i32
        %dma_wait3A_266 = tpu.memref_slice %arg6[%add3A_258, %dma_wait3A_265] : memref<327680x80xf32, #tpu.memory_space<hbm>> -> memref<1024x80xf32, #tpu.memory_space<hbm>>
        tpu.wait_dma2 semaphore(%run_scoped3A : memref<!tpu.dma_semaphore, #tpu.memory_space<semaphore_mem>>) src(%arg9 : memref<1024x80xf32, #tpu.memory_space<vmem>>) dst(%dma_wait3A_266 : memref<1024x80xf32, #tpu.memory_space<hbm>>)
        tpu.yield
      }) : () -> ()
    }
    %scan3A_5 = arith.constant 10 : i32
    %mul3A_6 = arith.constant 4 : i32
    %mul3A_7 = arith.muli %add3A, %mul3A_6 : i32
    "tpu.region"() ({
      %run_scoped3A = tpu.sem_alloc : memref<!tpu.dma_semaphore, #tpu.memory_space<semaphore_mem>>
      %dma_start3A_88 = arith.constant 0 : i32
      %dma_start3A_89 = tpu.memref_slice %arg5[%mul3A_7, %dma_start3A_88] : memref<128x128xi32, #tpu.memory_space<hbm>> -> memref<4x128xi32, #tpu.memory_space<hbm>>
      %dma_start3A_90 = arith.constant 0 : i32
      %dma_start3A_91 = tpu.memref_slice %arg5[%mul3A_7, %dma_start3A_90] : memref<128x128xi32, #tpu.memory_space<hbm>> -> memref<4x128xi32, #tpu.memory_space<hbm>>
      tpu.enqueue_dma source(%dma_start3A_91 : memref<4x128xi32, #tpu.memory_space<hbm>>) target(%arg10 : memref<4x128xi32, #tpu.memory_space<vmem>>) target_semaphore(%run_scoped3A : memref<!tpu.dma_semaphore, #tpu.memory_space<semaphore_mem>>)
      %dma_wait3A_92 = arith.constant 0 : i32
      %dma_wait3A_93 = tpu.memref_slice %arg5[%mul3A_7, %dma_wait3A_92] : memref<128x128xi32, #tpu.memory_space<hbm>> -> memref<4x128xi32, #tpu.memory_space<hbm>>
      %dma_wait3A_94 = arith.constant 0 : i32
      %dma_wait3A_95 = tpu.memref_slice %arg5[%mul3A_7, %dma_wait3A_94] : memref<128x128xi32, #tpu.memory_space<hbm>> -> memref<4x128xi32, #tpu.memory_space<hbm>>
      tpu.wait_dma2 semaphore(%run_scoped3A : memref<!tpu.dma_semaphore, #tpu.memory_space<semaphore_mem>>) src(%dma_wait3A_95 : memref<4x128xi32, #tpu.memory_space<hbm>>) dst(%arg10 : memref<4x128xi32, #tpu.memory_space<vmem>>)
      tpu.yield
    }) : () -> ()
    %dma_start3A = arith.constant 0 : i32
    %dma_start3A_8 = arith.constant 0 : i32
    %dma_start3A_9 = arith.constant 0 : i32
    %dma_start3A_10 = tpu.memref_slice %arg11[%dma_start3A_8, %dma_start3A_9] : memref<512x64xf32, #tpu.memory_space<vmem>> -> memref<128x64xf32, #tpu.memory_space<vmem>>
    %dma_start3A_11 = arith.constant 0 : i32
    %dma_start3A_12 = tpu.memref_slice %arg10[%dma_start3A, %dma_start3A_11] : memref<4x128xi32, #tpu.memory_space<vmem>> -> memref<1x128xi32, #tpu.memory_space<vmem>>
    %dma_start3A_13 = tpu.memref_squeeze %dma_start3A_12 : memref<1x128xi32, #tpu.memory_space<vmem>> -> memref<128xi32, #tpu.memory_space<vmem>>
    %dma_start3A_14 = arith.constant 0 : i32
    %dma_start3A_15 = arith.constant 0 : i32
    %dma_start3A_16 = tpu.memref_slice %arg4[%dma_start3A_14, %dma_start3A_15] : memref<16384x64xf32, #tpu.memory_space<hbm>> -> memref<16384x64xf32, #tpu.memory_space<hbm>>
    tpu.enqueue_indirect_dma source(%dma_start3A_16 : memref<16384x64xf32, #tpu.memory_space<hbm>>) target(%dma_start3A_10 : memref<128x64xf32, #tpu.memory_space<vmem>>) offsets(%dma_start3A_13 : memref<128xi32, #tpu.memory_space<vmem>>) semaphore(%arg12 : memref<!tpu.dma_semaphore, #tpu.memory_space<semaphore_mem>>)
    %dma_start3A_17 = arith.constant 1 : i32
    %dma_start3A_18 = arith.constant 128 : i32
    %dma_start3A_19 = arith.constant 0 : i32
    %dma_start3A_20 = tpu.memref_slice %arg11[%dma_start3A_18, %dma_start3A_19] : memref<512x64xf32, #tpu.memory_space<vmem>> -> memref<128x64xf32, #tpu.memory_space<vmem>>
    %dma_start3A_21 = arith.constant 0 : i32
    %dma_start3A_22 = tpu.memref_slice %arg10[%dma_start3A_17, %dma_start3A_21] : memref<4x128xi32, #tpu.memory_space<vmem>> -> memref<1x128xi32, #tpu.memory_space<vmem>>
    %dma_start3A_23 = tpu.memref_squeeze %dma_start3A_22 : memref<1x128xi32, #tpu.memory_space<vmem>> -> memref<128xi32, #tpu.memory_space<vmem>>
    %dma_start3A_24 = arith.constant 0 : i32
    %dma_start3A_25 = arith.constant 0 : i32
    %dma_start3A_26 = tpu.memref_slice %arg4[%dma_start3A_24, %dma_start3A_25] : memref<16384x64xf32, #tpu.memory_space<hbm>> -> memref<16384x64xf32, #tpu.memory_space<hbm>>
    tpu.enqueue_indirect_dma source(%dma_start3A_26 : memref<16384x64xf32, #tpu.memory_space<hbm>>) target(%dma_start3A_20 : memref<128x64xf32, #tpu.memory_space<vmem>>) offsets(%dma_start3A_23 : memref<128xi32, #tpu.memory_space<vmem>>) semaphore(%arg12 : memref<!tpu.dma_semaphore, #tpu.memory_space<semaphore_mem>>)
    %dma_start3A_27 = arith.constant 2 : i32
    %dma_start3A_28 = arith.constant 256 : i32
    %dma_start3A_29 = arith.constant 0 : i32
    %dma_start3A_30 = tpu.memref_slice %arg11[%dma_start3A_28, %dma_start3A_29] : memref<512x64xf32, #tpu.memory_space<vmem>> -> memref<128x64xf32, #tpu.memory_space<vmem>>
    %dma_start3A_31 = arith.constant 0 : i32
    %dma_start3A_32 = tpu.memref_slice %arg10[%dma_start3A_27, %dma_start3A_31] : memref<4x128xi32, #tpu.memory_space<vmem>> -> memref<1x128xi32, #tpu.memory_space<vmem>>
    %dma_start3A_33 = tpu.memref_squeeze %dma_start3A_32 : memref<1x128xi32, #tpu.memory_space<vmem>> -> memref<128xi32, #tpu.memory_space<vmem>>
    %dma_start3A_34 = arith.constant 0 : i32
    %dma_start3A_35 = arith.constant 0 : i32
    %dma_start3A_36 = tpu.memref_slice %arg4[%dma_start3A_34, %dma_start3A_35] : memref<16384x64xf32, #tpu.memory_space<hbm>> -> memref<16384x64xf32, #tpu.memory_space<hbm>>
    tpu.enqueue_indirect_dma source(%dma_start3A_36 : memref<16384x64xf32, #tpu.memory_space<hbm>>) target(%dma_start3A_30 : memref<128x64xf32, #tpu.memory_space<vmem>>) offsets(%dma_start3A_33 : memref<128xi32, #tpu.memory_space<vmem>>) semaphore(%arg12 : memref<!tpu.dma_semaphore, #tpu.memory_space<semaphore_mem>>)
    %dma_start3A_37 = arith.constant 3 : i32
    %dma_start3A_38 = arith.constant 384 : i32
    %dma_start3A_39 = arith.constant 0 : i32
    %dma_start3A_40 = tpu.memref_slice %arg11[%dma_start3A_38, %dma_start3A_39] : memref<512x64xf32, #tpu.memory_space<vmem>> -> memref<128x64xf32, #tpu.memory_space<vmem>>
    %dma_start3A_41 = arith.constant 0 : i32
    %dma_start3A_42 = tpu.memref_slice %arg10[%dma_start3A_37, %dma_start3A_41] : memref<4x128xi32, #tpu.memory_space<vmem>> -> memref<1x128xi32, #tpu.memory_space<vmem>>
    %dma_start3A_43 = tpu.memref_squeeze %dma_start3A_42 : memref<1x128xi32, #tpu.memory_space<vmem>> -> memref<128xi32, #tpu.memory_space<vmem>>
    %dma_start3A_44 = arith.constant 0 : i32
    %dma_start3A_45 = arith.constant 0 : i32
    %dma_start3A_46 = tpu.memref_slice %arg4[%dma_start3A_44, %dma_start3A_45] : memref<16384x64xf32, #tpu.memory_space<hbm>> -> memref<16384x64xf32, #tpu.memory_space<hbm>>
    tpu.enqueue_indirect_dma source(%dma_start3A_46 : memref<16384x64xf32, #tpu.memory_space<hbm>>) target(%dma_start3A_40 : memref<128x64xf32, #tpu.memory_space<vmem>>) offsets(%dma_start3A_43 : memref<128xi32, #tpu.memory_space<vmem>>) semaphore(%arg12 : memref<!tpu.dma_semaphore, #tpu.memory_space<semaphore_mem>>)
    %dma_wait3A = arith.constant 0 : i32
    %dma_wait3A_47 = arith.constant 0 : i32
    %dma_wait3A_48 = arith.constant 0 : i32
    %dma_wait3A_49 = tpu.memref_slice %arg11[%dma_wait3A_47, %dma_wait3A_48] : memref<512x64xf32, #tpu.memory_space<vmem>> -> memref<128x64xf32, #tpu.memory_space<vmem>>
    %dma_wait3A_50 = arith.constant 0 : i32
    %dma_wait3A_51 = tpu.memref_slice %arg10[%dma_wait3A, %dma_wait3A_50] : memref<4x128xi32, #tpu.memory_space<vmem>> -> memref<1x128xi32, #tpu.memory_space<vmem>>
    %dma_wait3A_52 = tpu.memref_squeeze %dma_wait3A_51 : memref<1x128xi32, #tpu.memory_space<vmem>> -> memref<128xi32, #tpu.memory_space<vmem>>
    %dma_wait3A_53 = arith.constant 0 : i32
    %dma_wait3A_54 = arith.constant 0 : i32
    %dma_wait3A_55 = tpu.memref_slice %arg4[%dma_wait3A_53, %dma_wait3A_54] : memref<16384x64xf32, #tpu.memory_space<hbm>> -> memref<16384x64xf32, #tpu.memory_space<hbm>>
    tpu.wait_indirect_dma semaphore(%arg12 : memref<!tpu.dma_semaphore, #tpu.memory_space<semaphore_mem>>) src(%dma_wait3A_55 : memref<16384x64xf32, #tpu.memory_space<hbm>>) dst(%dma_wait3A_49 : memref<128x64xf32, #tpu.memory_space<vmem>>)
    %dma_wait3A_56 = arith.constant 1 : i32
    %dma_wait3A_57 = arith.constant 128 : i32
    %dma_wait3A_58 = arith.constant 0 : i32
    %dma_wait3A_59 = tpu.memref_slice %arg11[%dma_wait3A_57, %dma_wait3A_58] : memref<512x64xf32, #tpu.memory_space<vmem>> -> memref<128x64xf32, #tpu.memory_space<vmem>>
    %dma_wait3A_60 = arith.constant 0 : i32
    %dma_wait3A_61 = tpu.memref_slice %arg10[%dma_wait3A_56, %dma_wait3A_60] : memref<4x128xi32, #tpu.memory_space<vmem>> -> memref<1x128xi32, #tpu.memory_space<vmem>>
    %dma_wait3A_62 = tpu.memref_squeeze %dma_wait3A_61 : memref<1x128xi32, #tpu.memory_space<vmem>> -> memref<128xi32, #tpu.memory_space<vmem>>
    %dma_wait3A_63 = arith.constant 0 : i32
    %dma_wait3A_64 = arith.constant 0 : i32
    %dma_wait3A_65 = tpu.memref_slice %arg4[%dma_wait3A_63, %dma_wait3A_64] : memref<16384x64xf32, #tpu.memory_space<hbm>> -> memref<16384x64xf32, #tpu.memory_space<hbm>>
    tpu.wait_indirect_dma semaphore(%arg12 : memref<!tpu.dma_semaphore, #tpu.memory_space<semaphore_mem>>) src(%dma_wait3A_65 : memref<16384x64xf32, #tpu.memory_space<hbm>>) dst(%dma_wait3A_59 : memref<128x64xf32, #tpu.memory_space<vmem>>)
    %dma_wait3A_66 = arith.constant 2 : i32
    %dma_wait3A_67 = arith.constant 256 : i32
    %dma_wait3A_68 = arith.constant 0 : i32
    %dma_wait3A_69 = tpu.memref_slice %arg11[%dma_wait3A_67, %dma_wait3A_68] : memref<512x64xf32, #tpu.memory_space<vmem>> -> memref<128x64xf32, #tpu.memory_space<vmem>>
    %dma_wait3A_70 = arith.constant 0 : i32
    %dma_wait3A_71 = tpu.memref_slice %arg10[%dma_wait3A_66, %dma_wait3A_70] : memref<4x128xi32, #tpu.memory_space<vmem>> -> memref<1x128xi32, #tpu.memory_space<vmem>>
    %dma_wait3A_72 = tpu.memref_squeeze %dma_wait3A_71 : memref<1x128xi32, #tpu.memory_space<vmem>> -> memref<128xi32, #tpu.memory_space<vmem>>
    %dma_wait3A_73 = arith.constant 0 : i32
    %dma_wait3A_74 = arith.constant 0 : i32
    %dma_wait3A_75 = tpu.memref_slice %arg4[%dma_wait3A_73, %dma_wait3A_74] : memref<16384x64xf32, #tpu.memory_space<hbm>> -> memref<16384x64xf32, #tpu.memory_space<hbm>>
    tpu.wait_indirect_dma semaphore(%arg12 : memref<!tpu.dma_semaphore, #tpu.memory_space<semaphore_mem>>) src(%dma_wait3A_75 : memref<16384x64xf32, #tpu.memory_space<hbm>>) dst(%dma_wait3A_69 : memref<128x64xf32, #tpu.memory_space<vmem>>)
    %dma_wait3A_76 = arith.constant 3 : i32
    %dma_wait3A_77 = arith.constant 384 : i32
    %dma_wait3A_78 = arith.constant 0 : i32
    %dma_wait3A_79 = tpu.memref_slice %arg11[%dma_wait3A_77, %dma_wait3A_78] : memref<512x64xf32, #tpu.memory_space<vmem>> -> memref<128x64xf32, #tpu.memory_space<vmem>>
    %dma_wait3A_80 = arith.constant 0 : i32
    %dma_wait3A_81 = tpu.memref_slice %arg10[%dma_wait3A_76, %dma_wait3A_80] : memref<4x128xi32, #tpu.memory_space<vmem>> -> memref<1x128xi32, #tpu.memory_space<vmem>>
    %dma_wait3A_82 = tpu.memref_squeeze %dma_wait3A_81 : memref<1x128xi32, #tpu.memory_space<vmem>> -> memref<128xi32, #tpu.memory_space<vmem>>
    %dma_wait3A_83 = arith.constant 0 : i32
    %dma_wait3A_84 = arith.constant 0 : i32
    %dma_wait3A_85 = tpu.memref_slice %arg4[%dma_wait3A_83, %dma_wait3A_84] : memref<16384x64xf32, #tpu.memory_space<hbm>> -> memref<16384x64xf32, #tpu.memory_space<hbm>>
    tpu.wait_indirect_dma semaphore(%arg12 : memref<!tpu.dma_semaphore, #tpu.memory_space<semaphore_mem>>) src(%dma_wait3A_85 : memref<16384x64xf32, #tpu.memory_space<hbm>>) dst(%dma_wait3A_79 : memref<128x64xf32, #tpu.memory_space<vmem>>)
    %mul3A_86 = arith.constant 512 : i32
    %mul3A_87 = arith.muli %add3A, %mul3A_86 : i32
    "tpu.region"() ({
      %run_scoped3A = tpu.sem_alloc : memref<!tpu.dma_semaphore, #tpu.memory_space<semaphore_mem>>
      %dma_start3A_88 = arith.constant 0 : i32
      %dma_start3A_89 = tpu.memref_slice %arg7[%mul3A_87, %dma_start3A_88] : memref<16384x64xf32, #tpu.memory_space<hbm>> -> memref<512x64xf32, #tpu.memory_space<hbm>>
      %dma_start3A_90 = arith.constant 0 : i32
      %dma_start3A_91 = tpu.memref_slice %arg7[%mul3A_87, %dma_start3A_90] : memref<16384x64xf32, #tpu.memory_space<hbm>> -> memref<512x64xf32, #tpu.memory_space<hbm>>
      tpu.enqueue_dma source(%arg11 : memref<512x64xf32, #tpu.memory_space<vmem>>) target(%dma_start3A_91 : memref<512x64xf32, #tpu.memory_space<hbm>>) target_semaphore(%run_scoped3A : memref<!tpu.dma_semaphore, #tpu.memory_space<semaphore_mem>>)
      %dma_wait3A_92 = arith.constant 0 : i32
      %dma_wait3A_93 = tpu.memref_slice %arg7[%mul3A_87, %dma_wait3A_92] : memref<16384x64xf32, #tpu.memory_space<hbm>> -> memref<512x64xf32, #tpu.memory_space<hbm>>
      %dma_wait3A_94 = arith.constant 0 : i32
      %dma_wait3A_95 = tpu.memref_slice %arg7[%mul3A_87, %dma_wait3A_94] : memref<16384x64xf32, #tpu.memory_space<hbm>> -> memref<512x64xf32, #tpu.memory_space<hbm>>
      tpu.wait_dma2 semaphore(%run_scoped3A : memref<!tpu.dma_semaphore, #tpu.memory_space<semaphore_mem>>) src(%arg11 : memref<512x64xf32, #tpu.memory_space<vmem>>) dst(%dma_wait3A_95 : memref<512x64xf32, #tpu.memory_space<hbm>>)
      tpu.yield
    }) : () -> ()
    return
  }
}

module attributes {stable_mosaic.version = 14 : i64} {
  func.func @_prep_body(%arg0: i32, %arg1: memref<2048x64xf32, #tpu.memory_space<vmem>>, %arg2: memref<2048x8xf32, #tpu.memory_space<vmem>>, %arg3: memref<64x64xf32, #tpu.memory_space<vmem>>, %arg4: memref<64x64xf32, #tpu.memory_space<vmem>>, %arg5: memref<2048x80xf32, #tpu.memory_space<vmem>>, %arg6: memref<2048x64xf32, #tpu.memory_space<vmem>>) attributes {dimension_semantics = [#tpu.dimension_semantics<arbitrary>], iteration_bounds = array<i64: 8>, scalar_prefetch = 0 : i64, scratch_operands = 0 : i64, tpu.core_type = #tpu.core_type<tc>, window_params = [{transform_indices = @transform_0, window_bounds = array<i64: 2048, 64>}, {transform_indices = @transform_1, window_bounds = array<i64: 2048, 8>}, {pipeline_mode = #tpu.pipeline_mode<synchronous>, transform_indices = @transform_2, window_bounds = array<i64: 64, 64>}, {pipeline_mode = #tpu.pipeline_mode<synchronous>, transform_indices = @transform_3, window_bounds = array<i64: 64, 64>}, {transform_indices = @transform_4, window_bounds = array<i64: 2048, 80>}, {transform_indices = @transform_5, window_bounds = array<i64: 2048, 64>}]} {
    %get3A = arith.constant 0 : index
    %get3A_0 = arith.constant 0 : index
    %get3A_1 = vector.load %arg1[%get3A, %get3A_0] : memref<2048x64xf32, #tpu.memory_space<vmem>>, vector<2048x64xf32>
    %get3A_2 = arith.constant 0 : index
    %get3A_3 = arith.constant 0 : index
    %get3A_4 = vector.load %arg3[%get3A_2, %get3A_3] : memref<64x64xf32, #tpu.memory_space<vmem>>, vector<64x64xf32>
    %dot_general3A = arith.constant dense<0.000000e+00> : vector<2048x64xf32>
    %dot_general3A_5 = tpu.matmul %get3A_1, %get3A_4, %dot_general3A {dimension_numbers = #tpu.dot_dimension_numbers<[1], [0], [0], [1], [0, 0, 1, 1], [], []>, transpose_lhs_hint = false} : vector<2048x64xf32>, vector<64x64xf32>, vector<2048x64xf32> -> vector<2048x64xf32>
    %get3A_6 = arith.constant 0 : index
    %get3A_7 = arith.constant 0 : index
    %get3A_8 = vector.load %arg2[%get3A_6, %get3A_7] : memref<2048x8xf32, #tpu.memory_space<vmem>>, vector<2048x8xf32>
    %broadcast_in_dim3A = arith.constant 0.000000e+00 : f32
    %broadcast_in_dim3A_9 = vector.broadcast %broadcast_in_dim3A : f32 to vector<2048x8xf32>
    %concatenate3A = tpu.concatenate %dot_general3A_5, %get3A_8, %broadcast_in_dim3A_9 in 1 : vector<2048x64xf32>, vector<2048x8xf32>, vector<2048x8xf32> -> vector<2048x80xf32>
    %swap3A = arith.constant 0 : index
    %swap3A_10 = arith.constant 0 : index
    %swap3A_11 = vector.load %arg5[%swap3A, %swap3A_10] : memref<2048x80xf32, #tpu.memory_space<vmem>>, vector<2048x80xf32>
    tpu.vector_store %arg5[%swap3A, %swap3A_10], %concatenate3A {strides = array<i32>} : memref<2048x80xf32, #tpu.memory_space<vmem>>, vector<2048x80xf32>,
    %get3A_12 = arith.constant 0 : index
    %get3A_13 = arith.constant 0 : index
    %get3A_14 = vector.load %arg4[%get3A_12, %get3A_13] : memref<64x64xf32, #tpu.memory_space<vmem>>, vector<64x64xf32>
    %dot_general3A_15 = arith.constant dense<0.000000e+00> : vector<2048x64xf32>
    %dot_general3A_16 = tpu.matmul %get3A_1, %get3A_14, %dot_general3A_15 {dimension_numbers = #tpu.dot_dimension_numbers<[1], [0], [0], [1], [0, 0, 1, 1], [], []>, transpose_lhs_hint = false} : vector<2048x64xf32>, vector<64x64xf32>, vector<2048x64xf32> -> vector<2048x64xf32>
    %swap3A_17 = arith.constant 0 : index
    %swap3A_18 = arith.constant 0 : index
    %swap3A_19 = vector.load %arg6[%swap3A_17, %swap3A_18] : memref<2048x64xf32, #tpu.memory_space<vmem>>, vector<2048x64xf32>
    tpu.vector_store %arg6[%swap3A_17, %swap3A_18], %dot_general3A_16 {strides = array<i32>} : memref<2048x64xf32, #tpu.memory_space<vmem>>, vector<2048x64xf32>,
    return
  }
  func.func @transform_0(%arg0: i32) -> (i32, i32) {
    %c0_i32 = arith.constant 0 : i32
    %c0_i32_0 = arith.constant 0 : i32
    return %arg0, %c0_i32 : i32, i32
  }
  func.func @transform_1(%arg0: i32) -> (i32, i32) {
    %c0_i32 = arith.constant 0 : i32
    %c0_i32_0 = arith.constant 0 : i32
    return %arg0, %c0_i32 : i32, i32
  }
  func.func @transform_2(%arg0: i32) -> (i32, i32) {
    %c0_i32 = arith.constant 0 : i32
    %c0_i32_0 = arith.constant 0 : i32
    %c0_i32_1 = arith.constant 0 : i32
    return %c0_i32, %c0_i32_0 : i32, i32
  }
  func.func @transform_3(%arg0: i32) -> (i32, i32) {
    %c0_i32 = arith.constant 0 : i32
    %c0_i32_0 = arith.constant 0 : i32
    %c0_i32_1 = arith.constant 0 : i32
    return %c0_i32, %c0_i32_0 : i32, i32
  }
  func.func @transform_4(%arg0: i32) -> (i32, i32) {
    %c0_i32 = arith.constant 0 : i32
    %c0_i32_0 = arith.constant 0 : i32
    return %arg0, %c0_i32 : i32, i32
  }
  func.func @transform_5(%arg0: i32) -> (i32, i32) {
    %c0_i32 = arith.constant 0 : i32
    %c0_i32_0 = arith.constant 0 : i32
    return %arg0, %c0_i32 : i32, i32
  }
}

module attributes {stable_mosaic.version = 14 : i64} {
  func.func @_main_body(%arg0: i32, %arg1: memref<512x20x80xf32, #tpu.memory_space<vmem>>, %arg2: memref<512x64xf32, #tpu.memory_space<vmem>>, %arg3: memref<1x64xf32, #tpu.memory_space<vmem>>, %arg4: memref<8x16xf32, #tpu.memory_space<vmem>>, %arg5: memref<512x64xf32, #tpu.memory_space<vmem>>, %arg6: memref<8x64xf32, #tpu.memory_space<vmem>>) attributes {dimension_semantics = [#tpu.dimension_semantics<arbitrary>], iteration_bounds = array<i64: 32>, scalar_prefetch = 0 : i64, scratch_operands = 0 : i64, tpu.core_type = #tpu.core_type<tc>, window_params = [{transform_indices = @transform_0, window_bounds = array<i64: 512, 20, 80>}, {transform_indices = @transform_1, window_bounds = array<i64: 512, 64>}, {pipeline_mode = #tpu.pipeline_mode<synchronous>, transform_indices = @transform_2, window_bounds = array<i64: 1, 64>}, {pipeline_mode = #tpu.pipeline_mode<synchronous>, transform_indices = @transform_3, window_bounds = array<i64: 8, 16>}, {transform_indices = @transform_4, window_bounds = array<i64: 512, 64>}, {pipeline_mode = #tpu.pipeline_mode<synchronous>, transform_indices = @transform_5, window_bounds = array<i64: 8, 64>}]} {
    %get3A = arith.constant 0 : index
    %get3A_0 = arith.constant 0 : index
    %get3A_1 = arith.constant 0 : index
    %get3A_2 = vector.load %arg1[%get3A, %get3A_0, %get3A_1] : memref<512x20x80xf32, #tpu.memory_space<vmem>>, vector<512x20x80xf32>
    %slice3A = vector.extract_strided_slice %get3A_2 {offsets = [0, 0, 64], sizes = [512, 20, 8], strides = [1, 1, 1]} : vector<512x20x80xf32> to vector<512x20x8xf32>
    %slice3A_3 = vector.extract_strided_slice %slice3A {offsets = [0, 0, 0], sizes = [512, 1, 8], strides = [1, 1, 1]} : vector<512x20x8xf32> to vector<512x1x8xf32>
    %sub3A = vector.broadcast %slice3A_3 : vector<512x1x8xf32> to vector<512x20x8xf32>
    %sub3A_4 = arith.subf %slice3A, %sub3A : vector<512x20x8xf32>
    %bitcast_convert_type3A = tpu.bitcast %sub3A_4 : vector<512x20x8xf32> -> vector<512x20x8xi32>
    %add3A = arith.constant 32767 : i32
    %add3A_5 = vector.broadcast %add3A : i32 to vector<512x20x8xi32>
    %add3A_6 = arith.addi %bitcast_convert_type3A, %add3A_5 : vector<512x20x8xi32>
    %shift_right_logical3A = arith.constant 16 : i32
    %shift_right_logical3A_7 = vector.broadcast %shift_right_logical3A : i32 to vector<512x20x8xi32>
    %shift_right_logical3A_8 = arith.shrui %bitcast_convert_type3A, %shift_right_logical3A_7 : vector<512x20x8xi32>
    %and3A = arith.constant 1 : i32
    %and3A_9 = vector.broadcast %and3A : i32 to vector<512x20x8xi32>
    %and3A_10 = arith.andi %shift_right_logical3A_8, %and3A_9 : vector<512x20x8xi32>
    %add3A_11 = arith.addi %add3A_6, %and3A_10 : vector<512x20x8xi32>
    %and3A_12 = arith.constant -65536 : i32
    %and3A_13 = vector.broadcast %and3A_12 : i32 to vector<512x20x8xi32>
    %and3A_14 = arith.andi %add3A_11, %and3A_13 : vector<512x20x8xi32>
    %bitcast_convert_type3A_15 = tpu.bitcast %and3A_14 : vector<512x20x8xi32> -> vector<512x20x8xf32>
    %get3A_16 = arith.constant 0 : index
    %get3A_17 = arith.constant 0 : index
    %get3A_18 = vector.load %arg4[%get3A_16, %get3A_17] : memref<8x16xf32, #tpu.memory_space<vmem>>, vector<8x16xf32>
    %bitcast_convert_type3A_19 = tpu.bitcast %get3A_18 : vector<8x16xf32> -> vector<8x16xi32>
    %add3A_20 = arith.constant 32767 : i32
    %add3A_21 = vector.broadcast %add3A_20 : i32 to vector<8x16xi32>
    %add3A_22 = arith.addi %bitcast_convert_type3A_19, %add3A_21 : vector<8x16xi32>
    %shift_right_logical3A_23 = arith.constant 16 : i32
    %shift_right_logical3A_24 = vector.broadcast %shift_right_logical3A_23 : i32 to vector<8x16xi32>
    %shift_right_logical3A_25 = arith.shrui %bitcast_convert_type3A_19, %shift_right_logical3A_24 : vector<8x16xi32>
    %and3A_26 = arith.constant 1 : i32
    %and3A_27 = vector.broadcast %and3A_26 : i32 to vector<8x16xi32>
    %and3A_28 = arith.andi %shift_right_logical3A_25, %and3A_27 : vector<8x16xi32>
    %add3A_29 = arith.addi %add3A_22, %and3A_28 : vector<8x16xi32>
    %and3A_30 = arith.constant -65536 : i32
    %and3A_31 = vector.broadcast %and3A_30 : i32 to vector<8x16xi32>
    %and3A_32 = arith.andi %add3A_29, %and3A_31 : vector<8x16xi32>
    %bitcast_convert_type3A_33 = tpu.bitcast %and3A_32 : vector<8x16xi32> -> vector<8x16xf32>
    %slice3A_34 = vector.extract_strided_slice %bitcast_convert_type3A_15 {offsets = [0, 0, 0], sizes = [512, 20, 1], strides = [1, 1, 1]} : vector<512x20x8xf32> to vector<512x20x1xf32>
    %slice3A_35 = vector.extract_strided_slice %bitcast_convert_type3A_33 {offsets = [0, 0], sizes = [1, 16], strides = [1, 1]} : vector<8x16xf32> to vector<1x16xf32>
    %broadcast_in_dim3A = vector.shape_cast %slice3A_35 : vector<1x16xf32> to vector<1x1x16xf32>
    %mul3A = vector.broadcast %slice3A_34 : vector<512x20x1xf32> to vector<512x20x16xf32>
    %mul3A_36 = vector.broadcast %broadcast_in_dim3A : vector<1x1x16xf32> to vector<512x20x16xf32>
    %mul3A_37 = arith.mulf %mul3A, %mul3A_36 : vector<512x20x16xf32>
    %slice3A_38 = vector.extract_strided_slice %bitcast_convert_type3A_15 {offsets = [0, 0, 1], sizes = [512, 20, 1], strides = [1, 1, 1]} : vector<512x20x8xf32> to vector<512x20x1xf32>
    %slice3A_39 = vector.extract_strided_slice %bitcast_convert_type3A_33 {offsets = [1, 0], sizes = [1, 16], strides = [1, 1]} : vector<8x16xf32> to vector<1x16xf32>
    %broadcast_in_dim3A_40 = vector.shape_cast %slice3A_39 : vector<1x16xf32> to vector<1x1x16xf32>
    %mul3A_41 = vector.broadcast %slice3A_38 : vector<512x20x1xf32> to vector<512x20x16xf32>
    %mul3A_42 = vector.broadcast %broadcast_in_dim3A_40 : vector<1x1x16xf32> to vector<512x20x16xf32>
    %mul3A_43 = arith.mulf %mul3A_41, %mul3A_42 : vector<512x20x16xf32>
    %add3A_44 = arith.addf %mul3A_37, %mul3A_43 : vector<512x20x16xf32>
    %slice3A_45 = vector.extract_strided_slice %bitcast_convert_type3A_15 {offsets = [0, 0, 2], sizes = [512, 20, 1], strides = [1, 1, 1]} : vector<512x20x8xf32> to vector<512x20x1xf32>
    %slice3A_46 = vector.extract_strided_slice %bitcast_convert_type3A_33 {offsets = [2, 0], sizes = [1, 16], strides = [1, 1]} : vector<8x16xf32> to vector<1x16xf32>
    %broadcast_in_dim3A_47 = vector.shape_cast %slice3A_46 : vector<1x16xf32> to vector<1x1x16xf32>
    %mul3A_48 = vector.broadcast %slice3A_45 : vector<512x20x1xf32> to vector<512x20x16xf32>
    %mul3A_49 = vector.broadcast %broadcast_in_dim3A_47 : vector<1x1x16xf32> to vector<512x20x16xf32>
    %mul3A_50 = arith.mulf %mul3A_48, %mul3A_49 : vector<512x20x16xf32>
    %add3A_51 = arith.addf %add3A_44, %mul3A_50 : vector<512x20x16xf32>
    %iota3A = tpu.iota {dimensions = array<i32: 1>} : vector<1x20x16xi32>
    %iota3A_52 = tpu.iota {dimensions = array<i32: 2>} : vector<1x20x16xi32>
    %eq3A = arith.constant 0 : i32
    %eq3A_53 = vector.broadcast %eq3A : i32 to vector<1x20x16xi32>
    %eq3A_54 = arith.cmpi eq, %iota3A, %eq3A_53 : vector<1x20x16xi32>
    %eq3A_55 = arith.constant 0 : i32
    %eq3A_56 = vector.broadcast %eq3A_55 : i32 to vector<1x20x16xi32>
    %eq3A_57 = arith.cmpi eq, %iota3A_52, %eq3A_56 : vector<1x20x16xi32>
    %and3A_58 = arith.andi %eq3A_54, %eq3A_57 : vector<1x20x16xi1>
    %jit3A = arith.constant 1.000000e+00 : f32
    %jit3A_59 = arith.constant 0.000000e+00 : f32
    %broadcast_in_dim3A_60 = vector.broadcast %jit3A : f32 to vector<1x20x16xf32>
    %broadcast_in_dim3A_61 = vector.broadcast %jit3A_59 : f32 to vector<1x20x16xf32>
    %select_n3A = arith.select %and3A_58, %broadcast_in_dim3A_60, %broadcast_in_dim3A_61 : vector<1x20x16xi1>, vector<1x20x16xf32>
    %add3A_62 = vector.broadcast %select_n3A : vector<1x20x16xf32> to vector<512x20x16xf32>
    %add3A_63 = arith.addf %add3A_51, %add3A_62 : vector<512x20x16xf32>
    %reduce_max3A = arith.constant dense<0xFF800000> : vector<512x16xf32>
    %reduce_max3A_64 = vector.multi_reduction <maximumf>, %add3A_63, %reduce_max3A [1] : vector<512x20x16xf32> to vector<512x16xf32>
    %broadcast_in_dim3A_65 = vector.shape_cast %reduce_max3A_64 : vector<512x16xf32> to vector<512x1x16xf32>
    %sub3A_66 = vector.broadcast %broadcast_in_dim3A_65 : vector<512x1x16xf32> to vector<512x20x16xf32>
    %sub3A_67 = arith.subf %add3A_63, %sub3A_66 : vector<512x20x16xf32>
    %exp3A = math.exp %sub3A_67 : vector<512x20x16xf32>
    %reduce_sum3A = arith.constant dense<0.000000e+00> : vector<512x16xf32>
    %reduce_sum3A_68 = vector.multi_reduction <add>, %exp3A, %reduce_sum3A [1] : vector<512x20x16xf32> to vector<512x16xf32>
    %broadcast_in_dim3A_69 = vector.shape_cast %reduce_sum3A_68 : vector<512x16xf32> to vector<512x1x16xf32>
    %div3A = vector.broadcast %broadcast_in_dim3A_69 : vector<512x1x16xf32> to vector<512x20x16xf32>
    %div3A_70 = arith.divf %exp3A, %div3A : vector<512x20x16xf32>
    %gt3A = arith.constant 1.000000e-01 : f32
    %gt3A_71 = vector.broadcast %gt3A : f32 to vector<512x20x16xf32>
    %gt3A_72 = arith.cmpf ogt, %div3A_70, %gt3A_71 : vector<512x20x16xf32>
    %jit3A_73 = arith.constant 0.000000e+00 : f32
    %broadcast_in_dim3A_74 = vector.broadcast %jit3A_73 : f32 to vector<512x20x16xf32>
    %select_n3A_75 = arith.select %gt3A_72, %div3A_70, %broadcast_in_dim3A_74 : vector<512x20x16xi1>, vector<512x20x16xf32>
    %reduce_sum3A_76 = arith.constant dense<0.000000e+00> : vector<512x16xf32>
    %reduce_sum3A_77 = vector.multi_reduction <add>, %select_n3A_75, %reduce_sum3A_76 [1] : vector<512x20x16xf32> to vector<512x16xf32>
    %broadcast_in_dim3A_78 = vector.shape_cast %reduce_sum3A_77 : vector<512x16xf32> to vector<512x1x16xf32>
    %add3A_79 = arith.constant 9.99999997E-7 : f32
    %add3A_80 = vector.broadcast %add3A_79 : f32 to vector<512x1x16xf32>
    %add3A_81 = arith.addf %broadcast_in_dim3A_78, %add3A_80 : vector<512x1x16xf32>
    %div3A_82 = vector.broadcast %add3A_81 : vector<512x1x16xf32> to vector<512x20x16xf32>
    %div3A_83 = arith.divf %select_n3A_75, %div3A_82 : vector<512x20x16xf32>
    %add3A_84 = arith.constant 9.99999997E-7 : f32
    %add3A_85 = vector.broadcast %add3A_84 : f32 to vector<512x16xf32>
    %add3A_86 = arith.addf %reduce_sum3A_77, %add3A_85 : vector<512x16xf32>
    %div3A_87 = arith.divf %reduce_sum3A_77, %add3A_86 : vector<512x16xf32>
    %slice3A_88 = vector.extract_strided_slice %get3A_2 {offsets = [0, 0, 0], sizes = [512, 20, 64], strides = [1, 1, 1]} : vector<512x20x80xf32> to vector<512x20x64xf32>
    %iota3A_89 = tpu.iota {dimensions = array<i32: 0>} : vector<16x1024xi32>
    %iota3A_90 = tpu.iota {dimensions = array<i32: 1>} : vector<16x1024xi32>
    %jit3A_91 = arith.constant 64 : i32
    %div3A_92 = vector.broadcast %jit3A_91 : i32 to vector<16x1024xi32>
    %div3A_93 = arith.divsi %iota3A_90, %div3A_92 : vector<16x1024xi32>
    %sign3A = arith.constant 0 : i32
    %sign3A_94 = vector.broadcast %sign3A : i32 to vector<16x1024xi32>
    %sign3A_95 = arith.cmpi sgt, %iota3A_90, %sign3A_94 : vector<16x1024xi32>
    %sign3A_96 = arith.extui %sign3A_95 : vector<16x1024xi1> to vector<16x1024xi32>
    %sign3A_97 = arith.constant 0 : i32
    %sign3A_98 = vector.broadcast %sign3A_97 : i32 to vector<16x1024xi32>
    %sign3A_99 = arith.cmpi slt, %iota3A_90, %sign3A_98 : vector<16x1024xi32>
    %sign3A_100 = arith.extui %sign3A_99 : vector<16x1024xi1> to vector<16x1024xi32>
    %sign3A_101 = arith.subi %sign3A_96, %sign3A_100 : vector<16x1024xi32>
    %sign3A_102 = arith.constant 0 : i32
    %sign3A_103 = arith.cmpi sgt, %jit3A_91, %sign3A_102 : i32
    %sign3A_104 = arith.extui %sign3A_103 : i1 to i32
    %sign3A_105 = arith.constant 0 : i32
    %sign3A_106 = arith.cmpi slt, %jit3A_91, %sign3A_105 : i32
    %sign3A_107 = arith.extui %sign3A_106 : i1 to i32
    %sign3A_108 = arith.subi %sign3A_104, %sign3A_107 : i32
    %ne3A = vector.broadcast %sign3A_108 : i32 to vector<16x1024xi32>
    %ne3A_109 = arith.cmpi ne, %sign3A_101, %ne3A : vector<16x1024xi32>
    %rem3A = vector.broadcast %jit3A_91 : i32 to vector<16x1024xi32>
    %rem3A_110 = arith.remsi %iota3A_90, %rem3A : vector<16x1024xi32>
    %ne3A_111 = arith.constant 0 : i32
    %ne3A_112 = vector.broadcast %ne3A_111 : i32 to vector<16x1024xi32>
    %ne3A_113 = arith.cmpi ne, %rem3A_110, %ne3A_112 : vector<16x1024xi32>
    %and3A_114 = arith.andi %ne3A_109, %ne3A_113 : vector<16x1024xi1>
    %sub3A_115 = arith.constant 1 : i32
    %sub3A_116 = vector.broadcast %sub3A_115 : i32 to vector<16x1024xi32>
    %sub3A_117 = arith.subi %div3A_93, %sub3A_116 : vector<16x1024xi32>
    %select_n3A_118 = arith.select %and3A_114, %sub3A_117, %div3A_93 : vector<16x1024xi1>, vector<16x1024xi32>
    %eq3A_119 = arith.cmpi eq, %select_n3A_118, %iota3A_89 : vector<16x1024xi32>
    %jit3A_120 = arith.constant 1.000000e+00 : f32
    %jit3A_121 = arith.constant 0.000000e+00 : f32
    %broadcast_in_dim3A_122 = vector.broadcast %jit3A_120 : f32 to vector<16x1024xf32>
    %broadcast_in_dim3A_123 = vector.broadcast %jit3A_121 : f32 to vector<16x1024xf32>
    %select_n3A_124 = arith.select %eq3A_119, %broadcast_in_dim3A_122, %broadcast_in_dim3A_123 : vector<16x1024xi1>, vector<16x1024xf32>
    %iota3A_125 = tpu.iota {dimensions = array<i32: 0>} : vector<64x1024xi32>
    %iota3A_126 = tpu.iota {dimensions = array<i32: 1>} : vector<64x1024xi32>
    %jit3A_127 = arith.constant 64 : i32
    %eq3A_128 = arith.constant 0 : i32
    %eq3A_129 = arith.cmpi eq, %jit3A_127, %eq3A_128 : i32
    %jit3A_130 = arith.constant 1 : i32
    %select_n3A_131 = arith.select %eq3A_129, %jit3A_130, %jit3A_127 : i32
    %rem3A_132 = vector.broadcast %select_n3A_131 : i32 to vector<64x1024xi32>
    %rem3A_133 = arith.remsi %iota3A_126, %rem3A_132 : vector<64x1024xi32>
    %ne3A_134 = arith.constant 0 : i32
    %ne3A_135 = vector.broadcast %ne3A_134 : i32 to vector<64x1024xi32>
    %ne3A_136 = arith.cmpi ne, %rem3A_133, %ne3A_135 : vector<64x1024xi32>
    %lt3A = arith.constant 0 : i32
    %lt3A_137 = vector.broadcast %lt3A : i32 to vector<64x1024xi32>
    %lt3A_138 = arith.cmpi slt, %rem3A_133, %lt3A_137 : vector<64x1024xi32>
    %lt3A_139 = arith.constant 0 : i32
    %lt3A_140 = arith.cmpi slt, %select_n3A_131, %lt3A_139 : i32
    %ne3A_141 = vector.broadcast %lt3A_140 : i1 to vector<64x1024xi1>
    %ne3A_142 = vector.broadcast %ne3A_141 : vector<64x1024xi1> to vector<64x1024xi1>
    %ne3A_143 = arith.xori %lt3A_138, %ne3A_142 : vector<64x1024xi1>
    %and3A_144 = arith.andi %ne3A_143, %ne3A_136 : vector<64x1024xi1>
    %add3A_145 = vector.broadcast %select_n3A_131 : i32 to vector<64x1024xi32>
    %add3A_146 = arith.addi %rem3A_133, %add3A_145 : vector<64x1024xi32>
    %select_n3A_147 = arith.select %and3A_144, %add3A_146, %rem3A_133 : vector<64x1024xi1>, vector<64x1024xi32>
    %eq3A_148 = arith.cmpi eq, %select_n3A_147, %iota3A_125 : vector<64x1024xi32>
    %jit3A_149 = arith.constant 1.000000e+00 : f32
    %jit3A_150 = arith.constant 0.000000e+00 : f32
    %broadcast_in_dim3A_151 = vector.broadcast %jit3A_149 : f32 to vector<64x1024xf32>
    %broadcast_in_dim3A_152 = vector.broadcast %jit3A_150 : f32 to vector<64x1024xf32>
    %select_n3A_153 = arith.select %eq3A_148, %broadcast_in_dim3A_151, %broadcast_in_dim3A_152 : vector<64x1024xi1>, vector<64x1024xf32>
    %slice3A_154 = vector.extract_strided_slice %div3A_83 {offsets = [0, 0, 0], sizes = [512, 1, 16], strides = [1, 1, 1]} : vector<512x20x16xf32> to vector<512x1x16xf32>
    %squeeze3A = vector.shape_cast %slice3A_154 : vector<512x1x16xf32> to vector<512x16xf32>
    %dot_general3A = arith.constant dense<0.000000e+00> : vector<512x1024xf32>
    %dot_general3A_155 = tpu.matmul %squeeze3A, %select_n3A_124, %dot_general3A {dimension_numbers = #tpu.dot_dimension_numbers<[1], [0], [0], [1], [0, 0, 1, 1], [], []>, transpose_lhs_hint = false} : vector<512x16xf32>, vector<16x1024xf32>, vector<512x1024xf32> -> vector<512x1024xf32>
    %slice3A_156 = vector.extract_strided_slice %slice3A_88 {offsets = [0, 0, 0], sizes = [512, 1, 64], strides = [1, 1, 1]} : vector<512x20x64xf32> to vector<512x1x64xf32>
    %squeeze3A_157 = vector.shape_cast %slice3A_156 : vector<512x1x64xf32> to vector<512x64xf32>
    %dot_general3A_158 = arith.constant dense<0.000000e+00> : vector<512x1024xf32>
    %dot_general3A_159 = tpu.matmul %squeeze3A_157, %select_n3A_153, %dot_general3A_158 {dimension_numbers = #tpu.dot_dimension_numbers<[1], [0], [0], [1], [0, 0, 1, 1], [], []>, transpose_lhs_hint = false} : vector<512x64xf32>, vector<64x1024xf32>, vector<512x1024xf32> -> vector<512x1024xf32>
    %mul3A_160 = arith.mulf %dot_general3A_155, %dot_general3A_159 : vector<512x1024xf32>
    %slice3A_161 = vector.extract_strided_slice %div3A_83 {offsets = [0, 1, 0], sizes = [512, 1, 16], strides = [1, 1, 1]} : vector<512x20x16xf32> to vector<512x1x16xf32>
    %squeeze3A_162 = vector.shape_cast %slice3A_161 : vector<512x1x16xf32> to vector<512x16xf32>
    %dot_general3A_163 = arith.constant dense<0.000000e+00> : vector<512x1024xf32>
    %dot_general3A_164 = tpu.matmul %squeeze3A_162, %select_n3A_124, %dot_general3A_163 {dimension_numbers = #tpu.dot_dimension_numbers<[1], [0], [0], [1], [0, 0, 1, 1], [], []>, transpose_lhs_hint = false} : vector<512x16xf32>, vector<16x1024xf32>, vector<512x1024xf32> -> vector<512x1024xf32>
    %slice3A_165 = vector.extract_strided_slice %slice3A_88 {offsets = [0, 1, 0], sizes = [512, 1, 64], strides = [1, 1, 1]} : vector<512x20x64xf32> to vector<512x1x64xf32>
    %squeeze3A_166 = vector.shape_cast %slice3A_165 : vector<512x1x64xf32> to vector<512x64xf32>
    %dot_general3A_167 = arith.constant dense<0.000000e+00> : vector<512x1024xf32>
    %dot_general3A_168 = tpu.matmul %squeeze3A_166, %select_n3A_153, %dot_general3A_167 {dimension_numbers = #tpu.dot_dimension_numbers<[1], [0], [0], [1], [0, 0, 1, 1], [], []>, transpose_lhs_hint = false} : vector<512x64xf32>, vector<64x1024xf32>, vector<512x1024xf32> -> vector<512x1024xf32>
    %mul3A_169 = arith.mulf %dot_general3A_164, %dot_general3A_168 : vector<512x1024xf32>
    %add3A_170 = arith.addf %mul3A_160, %mul3A_169 : vector<512x1024xf32>
    %slice3A_171 = vector.extract_strided_slice %div3A_83 {offsets = [0, 2, 0], sizes = [512, 1, 16], strides = [1, 1, 1]} : vector<512x20x16xf32> to vector<512x1x16xf32>
    %squeeze3A_172 = vector.shape_cast %slice3A_171 : vector<512x1x16xf32> to vector<512x16xf32>
    %dot_general3A_173 = arith.constant dense<0.000000e+00> : vector<512x1024xf32>
    %dot_general3A_174 = tpu.matmul %squeeze3A_172, %select_n3A_124, %dot_general3A_173 {dimension_numbers = #tpu.dot_dimension_numbers<[1], [0], [0], [1], [0, 0, 1, 1], [], []>, transpose_lhs_hint = false} : vector<512x16xf32>, vector<16x1024xf32>, vector<512x1024xf32> -> vector<512x1024xf32>
    %slice3A_175 = vector.extract_strided_slice %slice3A_88 {offsets = [0, 2, 0], sizes = [512, 1, 64], strides = [1, 1, 1]} : vector<512x20x64xf32> to vector<512x1x64xf32>
    %squeeze3A_176 = vector.shape_cast %slice3A_175 : vector<512x1x64xf32> to vector<512x64xf32>
    %dot_general3A_177 = arith.constant dense<0.000000e+00> : vector<512x1024xf32>
    %dot_general3A_178 = tpu.matmul %squeeze3A_176, %select_n3A_153, %dot_general3A_177 {dimension_numbers = #tpu.dot_dimension_numbers<[1], [0], [0], [1], [0, 0, 1, 1], [], []>, transpose_lhs_hint = false} : vector<512x64xf32>, vector<64x1024xf32>, vector<512x1024xf32> -> vector<512x1024xf32>
    %mul3A_179 = arith.mulf %dot_general3A_174, %dot_general3A_178 : vector<512x1024xf32>
    %add3A_180 = arith.addf %add3A_170, %mul3A_179 : vector<512x1024xf32>
    %slice3A_181 = vector.extract_strided_slice %div3A_83 {offsets = [0, 3, 0], sizes = [512, 1, 16], strides = [1, 1, 1]} : vector<512x20x16xf32> to vector<512x1x16xf32>
    %squeeze3A_182 = vector.shape_cast %slice3A_181 : vector<512x1x16xf32> to vector<512x16xf32>
    %dot_general3A_183 = arith.constant dense<0.000000e+00> : vector<512x1024xf32>
    %dot_general3A_184 = tpu.matmul %squeeze3A_182, %select_n3A_124, %dot_general3A_183 {dimension_numbers = #tpu.dot_dimension_numbers<[1], [0], [0], [1], [0, 0, 1, 1], [], []>, transpose_lhs_hint = false} : vector<512x16xf32>, vector<16x1024xf32>, vector<512x1024xf32> -> vector<512x1024xf32>
    %slice3A_185 = vector.extract_strided_slice %slice3A_88 {offsets = [0, 3, 0], sizes = [512, 1, 64], strides = [1, 1, 1]} : vector<512x20x64xf32> to vector<512x1x64xf32>
    %squeeze3A_186 = vector.shape_cast %slice3A_185 : vector<512x1x64xf32> to vector<512x64xf32>
    %dot_general3A_187 = arith.constant dense<0.000000e+00> : vector<512x1024xf32>
    %dot_general3A_188 = tpu.matmul %squeeze3A_186, %select_n3A_153, %dot_general3A_187 {dimension_numbers = #tpu.dot_dimension_numbers<[1], [0], [0], [1], [0, 0, 1, 1], [], []>, transpose_lhs_hint = false} : vector<512x64xf32>, vector<64x1024xf32>, vector<512x1024xf32> -> vector<512x1024xf32>
    %mul3A_189 = arith.mulf %dot_general3A_184, %dot_general3A_188 : vector<512x1024xf32>
    %add3A_190 = arith.addf %add3A_180, %mul3A_189 : vector<512x1024xf32>
    %slice3A_191 = vector.extract_strided_slice %div3A_83 {offsets = [0, 4, 0], sizes = [512, 1, 16], strides = [1, 1, 1]} : vector<512x20x16xf32> to vector<512x1x16xf32>
    %squeeze3A_192 = vector.shape_cast %slice3A_191 : vector<512x1x16xf32> to vector<512x16xf32>
    %dot_general3A_193 = arith.constant dense<0.000000e+00> : vector<512x1024xf32>
    %dot_general3A_194 = tpu.matmul %squeeze3A_192, %select_n3A_124, %dot_general3A_193 {dimension_numbers = #tpu.dot_dimension_numbers<[1], [0], [0], [1], [0, 0, 1, 1], [], []>, transpose_lhs_hint = false} : vector<512x16xf32>, vector<16x1024xf32>, vector<512x1024xf32> -> vector<512x1024xf32>
    %slice3A_195 = vector.extract_strided_slice %slice3A_88 {offsets = [0, 4, 0], sizes = [512, 1, 64], strides = [1, 1, 1]} : vector<512x20x64xf32> to vector<512x1x64xf32>
    %squeeze3A_196 = vector.shape_cast %slice3A_195 : vector<512x1x64xf32> to vector<512x64xf32>
    %dot_general3A_197 = arith.constant dense<0.000000e+00> : vector<512x1024xf32>
    %dot_general3A_198 = tpu.matmul %squeeze3A_196, %select_n3A_153, %dot_general3A_197 {dimension_numbers = #tpu.dot_dimension_numbers<[1], [0], [0], [1], [0, 0, 1, 1], [], []>, transpose_lhs_hint = false} : vector<512x64xf32>, vector<64x1024xf32>, vector<512x1024xf32> -> vector<512x1024xf32>
    %mul3A_199 = arith.mulf %dot_general3A_194, %dot_general3A_198 : vector<512x1024xf32>
    %add3A_200 = arith.addf %add3A_190, %mul3A_199 : vector<512x1024xf32>
    %slice3A_201 = vector.extract_strided_slice %div3A_83 {offsets = [0, 5, 0], sizes = [512, 1, 16], strides = [1, 1, 1]} : vector<512x20x16xf32> to vector<512x1x16xf32>
    %squeeze3A_202 = vector.shape_cast %slice3A_201 : vector<512x1x16xf32> to vector<512x16xf32>
    %dot_general3A_203 = arith.constant dense<0.000000e+00> : vector<512x1024xf32>
    %dot_general3A_204 = tpu.matmul %squeeze3A_202, %select_n3A_124, %dot_general3A_203 {dimension_numbers = #tpu.dot_dimension_numbers<[1], [0], [0], [1], [0, 0, 1, 1], [], []>, transpose_lhs_hint = false} : vector<512x16xf32>, vector<16x1024xf32>, vector<512x1024xf32> -> vector<512x1024xf32>
    %slice3A_205 = vector.extract_strided_slice %slice3A_88 {offsets = [0, 5, 0], sizes = [512, 1, 64], strides = [1, 1, 1]} : vector<512x20x64xf32> to vector<512x1x64xf32>
    %squeeze3A_206 = vector.shape_cast %slice3A_205 : vector<512x1x64xf32> to vector<512x64xf32>
    %dot_general3A_207 = arith.constant dense<0.000000e+00> : vector<512x1024xf32>
    %dot_general3A_208 = tpu.matmul %squeeze3A_206, %select_n3A_153, %dot_general3A_207 {dimension_numbers = #tpu.dot_dimension_numbers<[1], [0], [0], [1], [0, 0, 1, 1], [], []>, transpose_lhs_hint = false} : vector<512x64xf32>, vector<64x1024xf32>, vector<512x1024xf32> -> vector<512x1024xf32>
    %mul3A_209 = arith.mulf %dot_general3A_204, %dot_general3A_208 : vector<512x1024xf32>
    %add3A_210 = arith.addf %add3A_200, %mul3A_209 : vector<512x1024xf32>
    %slice3A_211 = vector.extract_strided_slice %div3A_83 {offsets = [0, 6, 0], sizes = [512, 1, 16], strides = [1, 1, 1]} : vector<512x20x16xf32> to vector<512x1x16xf32>
    %squeeze3A_212 = vector.shape_cast %slice3A_211 : vector<512x1x16xf32> to vector<512x16xf32>
    %dot_general3A_213 = arith.constant dense<0.000000e+00> : vector<512x1024xf32>
    %dot_general3A_214 = tpu.matmul %squeeze3A_212, %select_n3A_124, %dot_general3A_213 {dimension_numbers = #tpu.dot_dimension_numbers<[1], [0], [0], [1], [0, 0, 1, 1], [], []>, transpose_lhs_hint = false} : vector<512x16xf32>, vector<16x1024xf32>, vector<512x1024xf32> -> vector<512x1024xf32>
    %slice3A_215 = vector.extract_strided_slice %slice3A_88 {offsets = [0, 6, 0], sizes = [512, 1, 64], strides = [1, 1, 1]} : vector<512x20x64xf32> to vector<512x1x64xf32>
    %squeeze3A_216 = vector.shape_cast %slice3A_215 : vector<512x1x64xf32> to vector<512x64xf32>
    %dot_general3A_217 = arith.constant dense<0.000000e+00> : vector<512x1024xf32>
    %dot_general3A_218 = tpu.matmul %squeeze3A_216, %select_n3A_153, %dot_general3A_217 {dimension_numbers = #tpu.dot_dimension_numbers<[1], [0], [0], [1], [0, 0, 1, 1], [], []>, transpose_lhs_hint = false} : vector<512x64xf32>, vector<64x1024xf32>, vector<512x1024xf32> -> vector<512x1024xf32>
    %mul3A_219 = arith.mulf %dot_general3A_214, %dot_general3A_218 : vector<512x1024xf32>
    %add3A_220 = arith.addf %add3A_210, %mul3A_219 : vector<512x1024xf32>
    %slice3A_221 = vector.extract_strided_slice %div3A_83 {offsets = [0, 7, 0], sizes = [512, 1, 16], strides = [1, 1, 1]} : vector<512x20x16xf32> to vector<512x1x16xf32>
    %squeeze3A_222 = vector.shape_cast %slice3A_221 : vector<512x1x16xf32> to vector<512x16xf32>
    %dot_general3A_223 = arith.constant dense<0.000000e+00> : vector<512x1024xf32>
    %dot_general3A_224 = tpu.matmul %squeeze3A_222, %select_n3A_124, %dot_general3A_223 {dimension_numbers = #tpu.dot_dimension_numbers<[1], [0], [0], [1], [0, 0, 1, 1], [], []>, transpose_lhs_hint = false} : vector<512x16xf32>, vector<16x1024xf32>, vector<512x1024xf32> -> vector<512x1024xf32>
    %slice3A_225 = vector.extract_strided_slice %slice3A_88 {offsets = [0, 7, 0], sizes = [512, 1, 64], strides = [1, 1, 1]} : vector<512x20x64xf32> to vector<512x1x64xf32>
    %squeeze3A_226 = vector.shape_cast %slice3A_225 : vector<512x1x64xf32> to vector<512x64xf32>
    %dot_general3A_227 = arith.constant dense<0.000000e+00> : vector<512x1024xf32>
    %dot_general3A_228 = tpu.matmul %squeeze3A_226, %select_n3A_153, %dot_general3A_227 {dimension_numbers = #tpu.dot_dimension_numbers<[1], [0], [0], [1], [0, 0, 1, 1], [], []>, transpose_lhs_hint = false} : vector<512x64xf32>, vector<64x1024xf32>, vector<512x1024xf32> -> vector<512x1024xf32>
    %mul3A_229 = arith.mulf %dot_general3A_224, %dot_general3A_228 : vector<512x1024xf32>
    %add3A_230 = arith.addf %add3A_220, %mul3A_229 : vector<512x1024xf32>
    %slice3A_231 = vector.extract_strided_slice %div3A_83 {offsets = [0, 8, 0], sizes = [512, 1, 16], strides = [1, 1, 1]} : vector<512x20x16xf32> to vector<512x1x16xf32>
    %squeeze3A_232 = vector.shape_cast %slice3A_231 : vector<512x1x16xf32> to vector<512x16xf32>
    %dot_general3A_233 = arith.constant dense<0.000000e+00> : vector<512x1024xf32>
    %dot_general3A_234 = tpu.matmul %squeeze3A_232, %select_n3A_124, %dot_general3A_233 {dimension_numbers = #tpu.dot_dimension_numbers<[1], [0], [0], [1], [0, 0, 1, 1], [], []>, transpose_lhs_hint = false} : vector<512x16xf32>, vector<16x1024xf32>, vector<512x1024xf32> -> vector<512x1024xf32>
    %slice3A_235 = vector.extract_strided_slice %slice3A_88 {offsets = [0, 8, 0], sizes = [512, 1, 64], strides = [1, 1, 1]} : vector<512x20x64xf32> to vector<512x1x64xf32>
    %squeeze3A_236 = vector.shape_cast %slice3A_235 : vector<512x1x64xf32> to vector<512x64xf32>
    %dot_general3A_237 = arith.constant dense<0.000000e+00> : vector<512x1024xf32>
    %dot_general3A_238 = tpu.matmul %squeeze3A_236, %select_n3A_153, %dot_general3A_237 {dimension_numbers = #tpu.dot_dimension_numbers<[1], [0], [0], [1], [0, 0, 1, 1], [], []>, transpose_lhs_hint = false} : vector<512x64xf32>, vector<64x1024xf32>, vector<512x1024xf32> -> vector<512x1024xf32>
    %mul3A_239 = arith.mulf %dot_general3A_234, %dot_general3A_238 : vector<512x1024xf32>
    %add3A_240 = arith.addf %add3A_230, %mul3A_239 : vector<512x1024xf32>
    %slice3A_241 = vector.extract_strided_slice %div3A_83 {offsets = [0, 9, 0], sizes = [512, 1, 16], strides = [1, 1, 1]} : vector<512x20x16xf32> to vector<512x1x16xf32>
    %squeeze3A_242 = vector.shape_cast %slice3A_241 : vector<512x1x16xf32> to vector<512x16xf32>
    %dot_general3A_243 = arith.constant dense<0.000000e+00> : vector<512x1024xf32>
    %dot_general3A_244 = tpu.matmul %squeeze3A_242, %select_n3A_124, %dot_general3A_243 {dimension_numbers = #tpu.dot_dimension_numbers<[1], [0], [0], [1], [0, 0, 1, 1], [], []>, transpose_lhs_hint = false} : vector<512x16xf32>, vector<16x1024xf32>, vector<512x1024xf32> -> vector<512x1024xf32>
    %slice3A_245 = vector.extract_strided_slice %slice3A_88 {offsets = [0, 9, 0], sizes = [512, 1, 64], strides = [1, 1, 1]} : vector<512x20x64xf32> to vector<512x1x64xf32>
    %squeeze3A_246 = vector.shape_cast %slice3A_245 : vector<512x1x64xf32> to vector<512x64xf32>
    %dot_general3A_247 = arith.constant dense<0.000000e+00> : vector<512x1024xf32>
    %dot_general3A_248 = tpu.matmul %squeeze3A_246, %select_n3A_153, %dot_general3A_247 {dimension_numbers = #tpu.dot_dimension_numbers<[1], [0], [0], [1], [0, 0, 1, 1], [], []>, transpose_lhs_hint = false} : vector<512x64xf32>, vector<64x1024xf32>, vector<512x1024xf32> -> vector<512x1024xf32>
    %mul3A_249 = arith.mulf %dot_general3A_244, %dot_general3A_248 : vector<512x1024xf32>
    %add3A_250 = arith.addf %add3A_240, %mul3A_249 : vector<512x1024xf32>
    %slice3A_251 = vector.extract_strided_slice %div3A_83 {offsets = [0, 10, 0], sizes = [512, 1, 16], strides = [1, 1, 1]} : vector<512x20x16xf32> to vector<512x1x16xf32>
    %squeeze3A_252 = vector.shape_cast %slice3A_251 : vector<512x1x16xf32> to vector<512x16xf32>
    %dot_general3A_253 = arith.constant dense<0.000000e+00> : vector<512x1024xf32>
    %dot_general3A_254 = tpu.matmul %squeeze3A_252, %select_n3A_124, %dot_general3A_253 {dimension_numbers = #tpu.dot_dimension_numbers<[1], [0], [0], [1], [0, 0, 1, 1], [], []>, transpose_lhs_hint = false} : vector<512x16xf32>, vector<16x1024xf32>, vector<512x1024xf32> -> vector<512x1024xf32>
    %slice3A_255 = vector.extract_strided_slice %slice3A_88 {offsets = [0, 10, 0], sizes = [512, 1, 64], strides = [1, 1, 1]} : vector<512x20x64xf32> to vector<512x1x64xf32>
    %squeeze3A_256 = vector.shape_cast %slice3A_255 : vector<512x1x64xf32> to vector<512x64xf32>
    %dot_general3A_257 = arith.constant dense<0.000000e+00> : vector<512x1024xf32>
    %dot_general3A_258 = tpu.matmul %squeeze3A_256, %select_n3A_153, %dot_general3A_257 {dimension_numbers = #tpu.dot_dimension_numbers<[1], [0], [0], [1], [0, 0, 1, 1], [], []>, transpose_lhs_hint = false} : vector<512x64xf32>, vector<64x1024xf32>, vector<512x1024xf32> -> vector<512x1024xf32>
    %mul3A_259 = arith.mulf %dot_general3A_254, %dot_general3A_258 : vector<512x1024xf32>
    %add3A_260 = arith.addf %add3A_250, %mul3A_259 : vector<512x1024xf32>
    %slice3A_261 = vector.extract_strided_slice %div3A_83 {offsets = [0, 11, 0], sizes = [512, 1, 16], strides = [1, 1, 1]} : vector<512x20x16xf32> to vector<512x1x16xf32>
    %squeeze3A_262 = vector.shape_cast %slice3A_261 : vector<512x1x16xf32> to vector<512x16xf32>
    %dot_general3A_263 = arith.constant dense<0.000000e+00> : vector<512x1024xf32>
    %dot_general3A_264 = tpu.matmul %squeeze3A_262, %select_n3A_124, %dot_general3A_263 {dimension_numbers = #tpu.dot_dimension_numbers<[1], [0], [0], [1], [0, 0, 1, 1], [], []>, transpose_lhs_hint = false} : vector<512x16xf32>, vector<16x1024xf32>, vector<512x1024xf32> -> vector<512x1024xf32>
    %slice3A_265 = vector.extract_strided_slice %slice3A_88 {offsets = [0, 11, 0], sizes = [512, 1, 64], strides = [1, 1, 1]} : vector<512x20x64xf32> to vector<512x1x64xf32>
    %squeeze3A_266 = vector.shape_cast %slice3A_265 : vector<512x1x64xf32> to vector<512x64xf32>
    %dot_general3A_267 = arith.constant dense<0.000000e+00> : vector<512x1024xf32>
    %dot_general3A_268 = tpu.matmul %squeeze3A_266, %select_n3A_153, %dot_general3A_267 {dimension_numbers = #tpu.dot_dimension_numbers<[1], [0], [0], [1], [0, 0, 1, 1], [], []>, transpose_lhs_hint = false} : vector<512x64xf32>, vector<64x1024xf32>, vector<512x1024xf32> -> vector<512x1024xf32>
    %mul3A_269 = arith.mulf %dot_general3A_264, %dot_general3A_268 : vector<512x1024xf32>
    %add3A_270 = arith.addf %add3A_260, %mul3A_269 : vector<512x1024xf32>
    %slice3A_271 = vector.extract_strided_slice %div3A_83 {offsets = [0, 12, 0], sizes = [512, 1, 16], strides = [1, 1, 1]} : vector<512x20x16xf32> to vector<512x1x16xf32>
    %squeeze3A_272 = vector.shape_cast %slice3A_271 : vector<512x1x16xf32> to vector<512x16xf32>
    %dot_general3A_273 = arith.constant dense<0.000000e+00> : vector<512x1024xf32>
    %dot_general3A_274 = tpu.matmul %squeeze3A_272, %select_n3A_124, %dot_general3A_273 {dimension_numbers = #tpu.dot_dimension_numbers<[1], [0], [0], [1], [0, 0, 1, 1], [], []>, transpose_lhs_hint = false} : vector<512x16xf32>, vector<16x1024xf32>, vector<512x1024xf32> -> vector<512x1024xf32>
    %slice3A_275 = vector.extract_strided_slice %slice3A_88 {offsets = [0, 12, 0], sizes = [512, 1, 64], strides = [1, 1, 1]} : vector<512x20x64xf32> to vector<512x1x64xf32>
    %squeeze3A_276 = vector.shape_cast %slice3A_275 : vector<512x1x64xf32> to vector<512x64xf32>
    %dot_general3A_277 = arith.constant dense<0.000000e+00> : vector<512x1024xf32>
    %dot_general3A_278 = tpu.matmul %squeeze3A_276, %select_n3A_153, %dot_general3A_277 {dimension_numbers = #tpu.dot_dimension_numbers<[1], [0], [0], [1], [0, 0, 1, 1], [], []>, transpose_lhs_hint = false} : vector<512x64xf32>, vector<64x1024xf32>, vector<512x1024xf32> -> vector<512x1024xf32>
    %mul3A_279 = arith.mulf %dot_general3A_274, %dot_general3A_278 : vector<512x1024xf32>
    %add3A_280 = arith.addf %add3A_270, %mul3A_279 : vector<512x1024xf32>
    %slice3A_281 = vector.extract_strided_slice %div3A_83 {offsets = [0, 13, 0], sizes = [512, 1, 16], strides = [1, 1, 1]} : vector<512x20x16xf32> to vector<512x1x16xf32>
    %squeeze3A_282 = vector.shape_cast %slice3A_281 : vector<512x1x16xf32> to vector<512x16xf32>
    %dot_general3A_283 = arith.constant dense<0.000000e+00> : vector<512x1024xf32>
    %dot_general3A_284 = tpu.matmul %squeeze3A_282, %select_n3A_124, %dot_general3A_283 {dimension_numbers = #tpu.dot_dimension_numbers<[1], [0], [0], [1], [0, 0, 1, 1], [], []>, transpose_lhs_hint = false} : vector<512x16xf32>, vector<16x1024xf32>, vector<512x1024xf32> -> vector<512x1024xf32>
    %slice3A_285 = vector.extract_strided_slice %slice3A_88 {offsets = [0, 13, 0], sizes = [512, 1, 64], strides = [1, 1, 1]} : vector<512x20x64xf32> to vector<512x1x64xf32>
    %squeeze3A_286 = vector.shape_cast %slice3A_285 : vector<512x1x64xf32> to vector<512x64xf32>
    %dot_general3A_287 = arith.constant dense<0.000000e+00> : vector<512x1024xf32>
    %dot_general3A_288 = tpu.matmul %squeeze3A_286, %select_n3A_153, %dot_general3A_287 {dimension_numbers = #tpu.dot_dimension_numbers<[1], [0], [0], [1], [0, 0, 1, 1], [], []>, transpose_lhs_hint = false} : vector<512x64xf32>, vector<64x1024xf32>, vector<512x1024xf32> -> vector<512x1024xf32>
    %mul3A_289 = arith.mulf %dot_general3A_284, %dot_general3A_288 : vector<512x1024xf32>
    %add3A_290 = arith.addf %add3A_280, %mul3A_289 : vector<512x1024xf32>
    %slice3A_291 = vector.extract_strided_slice %div3A_83 {offsets = [0, 14, 0], sizes = [512, 1, 16], strides = [1, 1, 1]} : vector<512x20x16xf32> to vector<512x1x16xf32>
    %squeeze3A_292 = vector.shape_cast %slice3A_291 : vector<512x1x16xf32> to vector<512x16xf32>
    %dot_general3A_293 = arith.constant dense<0.000000e+00> : vector<512x1024xf32>
    %dot_general3A_294 = tpu.matmul %squeeze3A_292, %select_n3A_124, %dot_general3A_293 {dimension_numbers = #tpu.dot_dimension_numbers<[1], [0], [0], [1], [0, 0, 1, 1], [], []>, transpose_lhs_hint = false} : vector<512x16xf32>, vector<16x1024xf32>, vector<512x1024xf32> -> vector<512x1024xf32>
    %slice3A_295 = vector.extract_strided_slice %slice3A_88 {offsets = [0, 14, 0], sizes = [512, 1, 64], strides = [1, 1, 1]} : vector<512x20x64xf32> to vector<512x1x64xf32>
    %squeeze3A_296 = vector.shape_cast %slice3A_295 : vector<512x1x64xf32> to vector<512x64xf32>
    %dot_general3A_297 = arith.constant dense<0.000000e+00> : vector<512x1024xf32>
    %dot_general3A_298 = tpu.matmul %squeeze3A_296, %select_n3A_153, %dot_general3A_297 {dimension_numbers = #tpu.dot_dimension_numbers<[1], [0], [0], [1], [0, 0, 1, 1], [], []>, transpose_lhs_hint = false} : vector<512x64xf32>, vector<64x1024xf32>, vector<512x1024xf32> -> vector<512x1024xf32>
    %mul3A_299 = arith.mulf %dot_general3A_294, %dot_general3A_298 : vector<512x1024xf32>
    %add3A_300 = arith.addf %add3A_290, %mul3A_299 : vector<512x1024xf32>
    %slice3A_301 = vector.extract_strided_slice %div3A_83 {offsets = [0, 15, 0], sizes = [512, 1, 16], strides = [1, 1, 1]} : vector<512x20x16xf32> to vector<512x1x16xf32>
    %squeeze3A_302 = vector.shape_cast %slice3A_301 : vector<512x1x16xf32> to vector<512x16xf32>
    %dot_general3A_303 = arith.constant dense<0.000000e+00> : vector<512x1024xf32>
    %dot_general3A_304 = tpu.matmul %squeeze3A_302, %select_n3A_124, %dot_general3A_303 {dimension_numbers = #tpu.dot_dimension_numbers<[1], [0], [0], [1], [0, 0, 1, 1], [], []>, transpose_lhs_hint = false} : vector<512x16xf32>, vector<16x1024xf32>, vector<512x1024xf32> -> vector<512x1024xf32>
    %slice3A_305 = vector.extract_strided_slice %slice3A_88 {offsets = [0, 15, 0], sizes = [512, 1, 64], strides = [1, 1, 1]} : vector<512x20x64xf32> to vector<512x1x64xf32>
    %squeeze3A_306 = vector.shape_cast %slice3A_305 : vector<512x1x64xf32> to vector<512x64xf32>
    %dot_general3A_307 = arith.constant dense<0.000000e+00> : vector<512x1024xf32>
    %dot_general3A_308 = tpu.matmul %squeeze3A_306, %select_n3A_153, %dot_general3A_307 {dimension_numbers = #tpu.dot_dimension_numbers<[1], [0], [0], [1], [0, 0, 1, 1], [], []>, transpose_lhs_hint = false} : vector<512x64xf32>, vector<64x1024xf32>, vector<512x1024xf32> -> vector<512x1024xf32>
    %mul3A_309 = arith.mulf %dot_general3A_304, %dot_general3A_308 : vector<512x1024xf32>
    %add3A_310 = arith.addf %add3A_300, %mul3A_309 : vector<512x1024xf32>
    %slice3A_311 = vector.extract_strided_slice %div3A_83 {offsets = [0, 16, 0], sizes = [512, 1, 16], strides = [1, 1, 1]} : vector<512x20x16xf32> to vector<512x1x16xf32>
    %squeeze3A_312 = vector.shape_cast %slice3A_311 : vector<512x1x16xf32> to vector<512x16xf32>
    %dot_general3A_313 = arith.constant dense<0.000000e+00> : vector<512x1024xf32>
    %dot_general3A_314 = tpu.matmul %squeeze3A_312, %select_n3A_124, %dot_general3A_313 {dimension_numbers = #tpu.dot_dimension_numbers<[1], [0], [0], [1], [0, 0, 1, 1], [], []>, transpose_lhs_hint = false} : vector<512x16xf32>, vector<16x1024xf32>, vector<512x1024xf32> -> vector<512x1024xf32>
    %slice3A_315 = vector.extract_strided_slice %slice3A_88 {offsets = [0, 16, 0], sizes = [512, 1, 64], strides = [1, 1, 1]} : vector<512x20x64xf32> to vector<512x1x64xf32>
    %squeeze3A_316 = vector.shape_cast %slice3A_315 : vector<512x1x64xf32> to vector<512x64xf32>
    %dot_general3A_317 = arith.constant dense<0.000000e+00> : vector<512x1024xf32>
    %dot_general3A_318 = tpu.matmul %squeeze3A_316, %select_n3A_153, %dot_general3A_317 {dimension_numbers = #tpu.dot_dimension_numbers<[1], [0], [0], [1], [0, 0, 1, 1], [], []>, transpose_lhs_hint = false} : vector<512x64xf32>, vector<64x1024xf32>, vector<512x1024xf32> -> vector<512x1024xf32>
    %mul3A_319 = arith.mulf %dot_general3A_314, %dot_general3A_318 : vector<512x1024xf32>
    %add3A_320 = arith.addf %add3A_310, %mul3A_319 : vector<512x1024xf32>
    %slice3A_321 = vector.extract_strided_slice %div3A_83 {offsets = [0, 17, 0], sizes = [512, 1, 16], strides = [1, 1, 1]} : vector<512x20x16xf32> to vector<512x1x16xf32>
    %squeeze3A_322 = vector.shape_cast %slice3A_321 : vector<512x1x16xf32> to vector<512x16xf32>
    %dot_general3A_323 = arith.constant dense<0.000000e+00> : vector<512x1024xf32>
    %dot_general3A_324 = tpu.matmul %squeeze3A_322, %select_n3A_124, %dot_general3A_323 {dimension_numbers = #tpu.dot_dimension_numbers<[1], [0], [0], [1], [0, 0, 1, 1], [], []>, transpose_lhs_hint = false} : vector<512x16xf32>, vector<16x1024xf32>, vector<512x1024xf32> -> vector<512x1024xf32>
    %slice3A_325 = vector.extract_strided_slice %slice3A_88 {offsets = [0, 17, 0], sizes = [512, 1, 64], strides = [1, 1, 1]} : vector<512x20x64xf32> to vector<512x1x64xf32>
    %squeeze3A_326 = vector.shape_cast %slice3A_325 : vector<512x1x64xf32> to vector<512x64xf32>
    %dot_general3A_327 = arith.constant dense<0.000000e+00> : vector<512x1024xf32>
    %dot_general3A_328 = tpu.matmul %squeeze3A_326, %select_n3A_153, %dot_general3A_327 {dimension_numbers = #tpu.dot_dimension_numbers<[1], [0], [0], [1], [0, 0, 1, 1], [], []>, transpose_lhs_hint = false} : vector<512x64xf32>, vector<64x1024xf32>, vector<512x1024xf32> -> vector<512x1024xf32>
    %mul3A_329 = arith.mulf %dot_general3A_324, %dot_general3A_328 : vector<512x1024xf32>
    %add3A_330 = arith.addf %add3A_320, %mul3A_329 : vector<512x1024xf32>
    %slice3A_331 = vector.extract_strided_slice %div3A_83 {offsets = [0, 18, 0], sizes = [512, 1, 16], strides = [1, 1, 1]} : vector<512x20x16xf32> to vector<512x1x16xf32>
    %squeeze3A_332 = vector.shape_cast %slice3A_331 : vector<512x1x16xf32> to vector<512x16xf32>
    %dot_general3A_333 = arith.constant dense<0.000000e+00> : vector<512x1024xf32>
    %dot_general3A_334 = tpu.matmul %squeeze3A_332, %select_n3A_124, %dot_general3A_333 {dimension_numbers = #tpu.dot_dimension_numbers<[1], [0], [0], [1], [0, 0, 1, 1], [], []>, transpose_lhs_hint = false} : vector<512x16xf32>, vector<16x1024xf32>, vector<512x1024xf32> -> vector<512x1024xf32>
    %slice3A_335 = vector.extract_strided_slice %slice3A_88 {offsets = [0, 18, 0], sizes = [512, 1, 64], strides = [1, 1, 1]} : vector<512x20x64xf32> to vector<512x1x64xf32>
    %squeeze3A_336 = vector.shape_cast %slice3A_335 : vector<512x1x64xf32> to vector<512x64xf32>
    %dot_general3A_337 = arith.constant dense<0.000000e+00> : vector<512x1024xf32>
    %dot_general3A_338 = tpu.matmul %squeeze3A_336, %select_n3A_153, %dot_general3A_337 {dimension_numbers = #tpu.dot_dimension_numbers<[1], [0], [0], [1], [0, 0, 1, 1], [], []>, transpose_lhs_hint = false} : vector<512x64xf32>, vector<64x1024xf32>, vector<512x1024xf32> -> vector<512x1024xf32>
    %mul3A_339 = arith.mulf %dot_general3A_334, %dot_general3A_338 : vector<512x1024xf32>
    %add3A_340 = arith.addf %add3A_330, %mul3A_339 : vector<512x1024xf32>
    %slice3A_341 = vector.extract_strided_slice %div3A_83 {offsets = [0, 19, 0], sizes = [512, 1, 16], strides = [1, 1, 1]} : vector<512x20x16xf32> to vector<512x1x16xf32>
    %squeeze3A_342 = vector.shape_cast %slice3A_341 : vector<512x1x16xf32> to vector<512x16xf32>
    %dot_general3A_343 = arith.constant dense<0.000000e+00> : vector<512x1024xf32>
    %dot_general3A_344 = tpu.matmul %squeeze3A_342, %select_n3A_124, %dot_general3A_343 {dimension_numbers = #tpu.dot_dimension_numbers<[1], [0], [0], [1], [0, 0, 1, 1], [], []>, transpose_lhs_hint = false} : vector<512x16xf32>, vector<16x1024xf32>, vector<512x1024xf32> -> vector<512x1024xf32>
    %slice3A_345 = vector.extract_strided_slice %slice3A_88 {offsets = [0, 19, 0], sizes = [512, 1, 64], strides = [1, 1, 1]} : vector<512x20x64xf32> to vector<512x1x64xf32>
    %squeeze3A_346 = vector.shape_cast %slice3A_345 : vector<512x1x64xf32> to vector<512x64xf32>
    %dot_general3A_347 = arith.constant dense<0.000000e+00> : vector<512x1024xf32>
    %dot_general3A_348 = tpu.matmul %squeeze3A_346, %select_n3A_153, %dot_general3A_347 {dimension_numbers = #tpu.dot_dimension_numbers<[1], [0], [0], [1], [0, 0, 1, 1], [], []>, transpose_lhs_hint = false} : vector<512x64xf32>, vector<64x1024xf32>, vector<512x1024xf32> -> vector<512x1024xf32>
    %mul3A_349 = arith.mulf %dot_general3A_344, %dot_general3A_348 : vector<512x1024xf32>
    %add3A_350 = arith.addf %add3A_340, %mul3A_349 : vector<512x1024xf32>
    %dot_general3A_351 = arith.constant dense<0.000000e+00> : vector<512x1024xf32>
    %dot_general3A_352 = tpu.matmul %div3A_87, %select_n3A_124, %dot_general3A_351 {dimension_numbers = #tpu.dot_dimension_numbers<[1], [0], [0], [1], [0, 0, 1, 1], [], []>, transpose_lhs_hint = false} : vector<512x16xf32>, vector<16x1024xf32>, vector<512x1024xf32> -> vector<512x1024xf32>
    %get3A_353 = arith.constant 0 : index
    %get3A_354 = arith.constant 0 : index
    %get3A_355 = vector.load %arg2[%get3A_353, %get3A_354] : memref<512x64xf32, #tpu.memory_space<vmem>>, vector<512x64xf32>
    %dot_general3A_356 = arith.constant dense<0.000000e+00> : vector<512x1024xf32>
    %dot_general3A_357 = tpu.matmul %get3A_355, %select_n3A_153, %dot_general3A_356 {dimension_numbers = #tpu.dot_dimension_numbers<[1], [0], [0], [1], [0, 0, 1, 1], [], []>, transpose_lhs_hint = false} : vector<512x64xf32>, vector<64x1024xf32>, vector<512x1024xf32> -> vector<512x1024xf32>
    %mul3A_358 = arith.mulf %dot_general3A_357, %dot_general3A_352 : vector<512x1024xf32>
    %add3A_359 = arith.addf %mul3A_358, %add3A_350 : vector<512x1024xf32>
    %slice3A_360 = vector.extract_strided_slice %add3A_359 {offsets = [0, 0], sizes = [512, 64], strides = [1, 1]} : vector<512x1024xf32> to vector<512x64xf32>
    %slice3A_361 = vector.extract_strided_slice %add3A_359 {offsets = [0, 64], sizes = [512, 64], strides = [1, 1]} : vector<512x1024xf32> to vector<512x64xf32>
    %max3A = arith.maximumf %slice3A_360, %slice3A_361 : vector<512x64xf32>
    %slice3A_362 = vector.extract_strided_slice %add3A_359 {offsets = [0, 128], sizes = [512, 64], strides = [1, 1]} : vector<512x1024xf32> to vector<512x64xf32>
    %max3A_363 = arith.maximumf %max3A, %slice3A_362 : vector<512x64xf32>
    %slice3A_364 = vector.extract_strided_slice %add3A_359 {offsets = [0, 192], sizes = [512, 64], strides = [1, 1]} : vector<512x1024xf32> to vector<512x64xf32>
    %max3A_365 = arith.maximumf %max3A_363, %slice3A_364 : vector<512x64xf32>
    %slice3A_366 = vector.extract_strided_slice %add3A_359 {offsets = [0, 256], sizes = [512, 64], strides = [1, 1]} : vector<512x1024xf32> to vector<512x64xf32>
    %max3A_367 = arith.maximumf %max3A_365, %slice3A_366 : vector<512x64xf32>
    %slice3A_368 = vector.extract_strided_slice %add3A_359 {offsets = [0, 320], sizes = [512, 64], strides = [1, 1]} : vector<512x1024xf32> to vector<512x64xf32>
    %max3A_369 = arith.maximumf %max3A_367, %slice3A_368 : vector<512x64xf32>
    %slice3A_370 = vector.extract_strided_slice %add3A_359 {offsets = [0, 384], sizes = [512, 64], strides = [1, 1]} : vector<512x1024xf32> to vector<512x64xf32>
    %max3A_371 = arith.maximumf %max3A_369, %slice3A_370 : vector<512x64xf32>
    %slice3A_372 = vector.extract_strided_slice %add3A_359 {offsets = [0, 448], sizes = [512, 64], strides = [1, 1]} : vector<512x1024xf32> to vector<512x64xf32>
    %max3A_373 = arith.maximumf %max3A_371, %slice3A_372 : vector<512x64xf32>
    %slice3A_374 = vector.extract_strided_slice %add3A_359 {offsets = [0, 512], sizes = [512, 64], strides = [1, 1]} : vector<512x1024xf32> to vector<512x64xf32>
    %max3A_375 = arith.maximumf %max3A_373, %slice3A_374 : vector<512x64xf32>
    %slice3A_376 = vector.extract_strided_slice %add3A_359 {offsets = [0, 576], sizes = [512, 64], strides = [1, 1]} : vector<512x1024xf32> to vector<512x64xf32>
    %max3A_377 = arith.maximumf %max3A_375, %slice3A_376 : vector<512x64xf32>
    %slice3A_378 = vector.extract_strided_slice %add3A_359 {offsets = [0, 640], sizes = [512, 64], strides = [1, 1]} : vector<512x1024xf32> to vector<512x64xf32>
    %max3A_379 = arith.maximumf %max3A_377, %slice3A_378 : vector<512x64xf32>
    %slice3A_380 = vector.extract_strided_slice %add3A_359 {offsets = [0, 704], sizes = [512, 64], strides = [1, 1]} : vector<512x1024xf32> to vector<512x64xf32>
    %max3A_381 = arith.maximumf %max3A_379, %slice3A_380 : vector<512x64xf32>
    %slice3A_382 = vector.extract_strided_slice %add3A_359 {offsets = [0, 768], sizes = [512, 64], strides = [1, 1]} : vector<512x1024xf32> to vector<512x64xf32>
    %max3A_383 = arith.maximumf %max3A_381, %slice3A_382 : vector<512x64xf32>
    %slice3A_384 = vector.extract_strided_slice %add3A_359 {offsets = [0, 832], sizes = [512, 64], strides = [1, 1]} : vector<512x1024xf32> to vector<512x64xf32>
    %max3A_385 = arith.maximumf %max3A_383, %slice3A_384 : vector<512x64xf32>
    %slice3A_386 = vector.extract_strided_slice %add3A_359 {offsets = [0, 896], sizes = [512, 64], strides = [1, 1]} : vector<512x1024xf32> to vector<512x64xf32>
    %max3A_387 = arith.maximumf %max3A_385, %slice3A_386 : vector<512x64xf32>
    %slice3A_388 = vector.extract_strided_slice %add3A_359 {offsets = [0, 960], sizes = [512, 64], strides = [1, 1]} : vector<512x1024xf32> to vector<512x64xf32>
    %max3A_389 = arith.maximumf %max3A_387, %slice3A_388 : vector<512x64xf32>
    %get3A_390 = arith.constant 0 : index
    %get3A_391 = arith.constant 0 : index
    %get3A_392 = vector.load %arg3[%get3A_390, %get3A_391] : memref<1x64xf32, #tpu.memory_space<vmem>>, vector<1x64xf32>
    %add3A_393 = vector.broadcast %get3A_392 : vector<1x64xf32> to vector<512x64xf32>
    %add3A_394 = arith.addf %max3A_389, %add3A_393 : vector<512x64xf32>
    %swap3A = arith.constant 0 : index
    %swap3A_395 = arith.constant 0 : index
    %swap3A_396 = vector.load %arg5[%swap3A, %swap3A_395] : memref<512x64xf32, #tpu.memory_space<vmem>>, vector<512x64xf32>
    tpu.vector_store %arg5[%swap3A, %swap3A_395], %add3A_394 {strides = array<i32>} : memref<512x64xf32, #tpu.memory_space<vmem>>, vector<512x64xf32>,
    %reduce_sum3A_397 = arith.constant dense<0.000000e+00> : vector<64xf32>
    %reduce_sum3A_398 = vector.multi_reduction <add>, %add3A_394, %reduce_sum3A_397 [0] : vector<512x64xf32> to vector<64xf32>
    %broadcast_in_dim3A_399 = vector.shape_cast %reduce_sum3A_398 : vector<64xf32> to vector<1x64xf32>
    %mul3A_400 = arith.mulf %add3A_394, %add3A_394 : vector<512x64xf32>
    %reduce_sum3A_401 = arith.constant dense<0.000000e+00> : vector<64xf32>
    %reduce_sum3A_402 = vector.multi_reduction <add>, %mul3A_400, %reduce_sum3A_401 [0] : vector<512x64xf32> to vector<64xf32>
    %broadcast_in_dim3A_403 = vector.shape_cast %reduce_sum3A_402 : vector<64xf32> to vector<1x64xf32>
    %broadcast_in_dim3A_404 = arith.constant 0.000000e+00 : f32
    %broadcast_in_dim3A_405 = vector.broadcast %broadcast_in_dim3A_404 : f32 to vector<6x64xf32>
    %concatenate3A = tpu.concatenate %broadcast_in_dim3A_399, %broadcast_in_dim3A_403, %broadcast_in_dim3A_405 in 0 : vector<1x64xf32>, vector<1x64xf32>, vector<6x64xf32> -> vector<8x64xf32>
    %eq3A_406 = arith.constant 0 : i32
    %eq3A_407 = arith.cmpi eq, %arg0, %eq3A_406 : i32
    %convert_element_type3A = arith.extui %eq3A_407 : i1 to i32
    %cond3A = arith.constant 0 : i32
    %cond3A_408 = arith.cmpi ne, %convert_element_type3A, %cond3A : i32
    scf.if %cond3A_408 {
      %swap3A_414 = arith.constant 0 : index
      %swap3A_415 = arith.constant 0 : index
      %swap3A_416 = vector.load %arg6[%swap3A_414, %swap3A_415] : memref<8x64xf32, #tpu.memory_space<vmem>>, vector<8x64xf32>
      tpu.vector_store %arg6[%swap3A_414, %swap3A_415], %concatenate3A {strides = array<i32>} : memref<8x64xf32, #tpu.memory_space<vmem>>, vector<8x64xf32>,
    } else {
    }
    %ne3A_409 = arith.constant 0 : i32
    %ne3A_410 = arith.cmpi ne, %arg0, %ne3A_409 : i32
    %convert_element_type3A_411 = arith.extui %ne3A_410 : i1 to i32
    %cond3A_412 = arith.constant 0 : i32
    %cond3A_413 = arith.cmpi ne, %convert_element_type3A_411, %cond3A_412 : i32
    scf.if %cond3A_413 {
      %get3A_414 = arith.constant 0 : index
      %get3A_415 = arith.constant 0 : index
      %get3A_416 = vector.load %arg6[%get3A_414, %get3A_415] : memref<8x64xf32, #tpu.memory_space<vmem>>, vector<8x64xf32>
      %add3A_417 = arith.addf %get3A_416, %concatenate3A : vector<8x64xf32>
      %swap3A_418 = arith.constant 0 : index
      %swap3A_419 = arith.constant 0 : index
      %swap3A_420 = vector.load %arg6[%swap3A_418, %swap3A_419] : memref<8x64xf32, #tpu.memory_space<vmem>>, vector<8x64xf32>
      tpu.vector_store %arg6[%swap3A_418, %swap3A_419], %add3A_417 {strides = array<i32>} : memref<8x64xf32, #tpu.memory_space<vmem>>, vector<8x64xf32>,
    } else {
    }
    return
  }
  func.func @transform_0(%arg0: i32) -> (i32, i32, i32) {
    %c0_i32 = arith.constant 0 : i32
    %c0_i32_0 = arith.constant 0 : i32
    %c0_i32_1 = arith.constant 0 : i32
    return %arg0, %c0_i32, %c0_i32_0 : i32, i32, i32
  }
  func.func @transform_1(%arg0: i32) -> (i32, i32) {
    %c0_i32 = arith.constant 0 : i32
    %c0_i32_0 = arith.constant 0 : i32
    return %arg0, %c0_i32 : i32, i32
  }
  func.func @transform_2(%arg0: i32) -> (i32, i32) {
    %c0_i32 = arith.constant 0 : i32
    %c0_i32_0 = arith.constant 0 : i32
    %c0_i32_1 = arith.constant 0 : i32
    return %c0_i32, %c0_i32_0 : i32, i32
  }
  func.func @transform_3(%arg0: i32) -> (i32, i32) {
    %c0_i32 = arith.constant 0 : i32
    %c0_i32_0 = arith.constant 0 : i32
    %c0_i32_1 = arith.constant 0 : i32
    return %c0_i32, %c0_i32_0 : i32, i32
  }
  func.func @transform_4(%arg0: i32) -> (i32, i32) {
    %c0_i32 = arith.constant 0 : i32
    %c0_i32_0 = arith.constant 0 : i32
    return %arg0, %c0_i32 : i32, i32
  }
  func.func @transform_5(%arg0: i32) -> (i32, i32) {
    %c0_i32 = arith.constant 0 : i32
    %c0_i32_0 = arith.constant 0 : i32
    %c0_i32_1 = arith.constant 0 : i32
    return %c0_i32, %c0_i32_0 : i32, i32
  }
}

module attributes {stable_mosaic.version = 14 : i64} {
  func.func @_bn_body(%arg0: i32, %arg1: memref<2048x64xf32, #tpu.memory_space<vmem>>, %arg2: memref<2048x64xf32, #tpu.memory_space<vmem>>, %arg3: memref<8x64xf32, #tpu.memory_space<vmem>>, %arg4: memref<1x64xf32, #tpu.memory_space<vmem>>, %arg5: memref<1x64xf32, #tpu.memory_space<vmem>>, %arg6: memref<2048x64xf32, #tpu.memory_space<vmem>>) attributes {dimension_semantics = [#tpu.dimension_semantics<arbitrary>], iteration_bounds = array<i64: 8>, scalar_prefetch = 0 : i64, scratch_operands = 0 : i64, tpu.core_type = #tpu.core_type<tc>, window_params = [{transform_indices = @transform_0, window_bounds = array<i64: 2048, 64>}, {transform_indices = @transform_1, window_bounds = array<i64: 2048, 64>}, {pipeline_mode = #tpu.pipeline_mode<synchronous>, transform_indices = @transform_2, window_bounds = array<i64: 8, 64>}, {pipeline_mode = #tpu.pipeline_mode<synchronous>, transform_indices = @transform_3, window_bounds = array<i64: 1, 64>}, {pipeline_mode = #tpu.pipeline_mode<synchronous>, transform_indices = @transform_4, window_bounds = array<i64: 1, 64>}, {transform_indices = @transform_5, window_bounds = array<i64: 2048, 64>}]} {
    %get3A = arith.constant 0 : index
    %get3A_0 = arith.constant 0 : index
    %get3A_1 = vector.load %arg3[%get3A, %get3A_0] : memref<8x64xf32, #tpu.memory_space<vmem>>, vector<1x64xf32>
    %div3A = arith.constant 1.638400e+04 : f32
    %div3A_2 = vector.broadcast %div3A : f32 to vector<1x64xf32>
    %div3A_3 = arith.divf %get3A_1, %div3A_2 : vector<1x64xf32>
    %get3A_4 = arith.constant 1 : index
    %get3A_5 = arith.constant 0 : index
    %get3A_6 = vector.load %arg3[%get3A_4, %get3A_5] : memref<8x64xf32, #tpu.memory_space<vmem>>, vector<1x64xf32>
    %div3A_7 = arith.constant 1.638400e+04 : f32
    %div3A_8 = vector.broadcast %div3A_7 : f32 to vector<1x64xf32>
    %div3A_9 = arith.divf %get3A_6, %div3A_8 : vector<1x64xf32>
    %mul3A = arith.mulf %div3A_3, %div3A_3 : vector<1x64xf32>
    %sub3A = arith.subf %div3A_9, %mul3A : vector<1x64xf32>
    %add3A = arith.constant 9.99999974E-6 : f32
    %add3A_10 = vector.broadcast %add3A : f32 to vector<1x64xf32>
    %add3A_11 = arith.addf %sub3A, %add3A_10 : vector<1x64xf32>
    %rsqrt3A = math.rsqrt %add3A_11 : vector<1x64xf32>
    %get3A_12 = arith.constant 0 : index
    %get3A_13 = arith.constant 0 : index
    %get3A_14 = vector.load %arg1[%get3A_12, %get3A_13] : memref<2048x64xf32, #tpu.memory_space<vmem>>, vector<2048x64xf32>
    %sub3A_15 = vector.broadcast %div3A_3 : vector<1x64xf32> to vector<2048x64xf32>
    %sub3A_16 = arith.subf %get3A_14, %sub3A_15 : vector<2048x64xf32>
    %get3A_17 = arith.constant 0 : index
    %get3A_18 = arith.constant 0 : index
    %get3A_19 = vector.load %arg4[%get3A_17, %get3A_18] : memref<1x64xf32, #tpu.memory_space<vmem>>, vector<1x64xf32>
    %mul3A_20 = arith.mulf %rsqrt3A, %get3A_19 : vector<1x64xf32>
    %mul3A_21 = vector.broadcast %mul3A_20 : vector<1x64xf32> to vector<2048x64xf32>
    %mul3A_22 = arith.mulf %sub3A_16, %mul3A_21 : vector<2048x64xf32>
    %get3A_23 = arith.constant 0 : index
    %get3A_24 = arith.constant 0 : index
    %get3A_25 = vector.load %arg5[%get3A_23, %get3A_24] : memref<1x64xf32, #tpu.memory_space<vmem>>, vector<1x64xf32>
    %add3A_26 = vector.broadcast %get3A_25 : vector<1x64xf32> to vector<2048x64xf32>
    %add3A_27 = arith.addf %mul3A_22, %add3A_26 : vector<2048x64xf32>
    %get3A_28 = arith.constant 0 : index
    %get3A_29 = arith.constant 0 : index
    %get3A_30 = vector.load %arg2[%get3A_28, %get3A_29] : memref<2048x64xf32, #tpu.memory_space<vmem>>, vector<2048x64xf32>
    %add3A_31 = arith.addf %add3A_27, %get3A_30 : vector<2048x64xf32>
    %swap3A = arith.constant 0 : index
    %swap3A_32 = arith.constant 0 : index
    %swap3A_33 = vector.load %arg6[%swap3A, %swap3A_32] : memref<2048x64xf32, #tpu.memory_space<vmem>>, vector<2048x64xf32>
    tpu.vector_store %arg6[%swap3A, %swap3A_32], %add3A_31 {strides = array<i32>} : memref<2048x64xf32, #tpu.memory_space<vmem>>, vector<2048x64xf32>,
    return
  }
  func.func @transform_0(%arg0: i32) -> (i32, i32) {
    %c0_i32 = arith.constant 0 : i32
    %c0_i32_0 = arith.constant 0 : i32
    return %arg0, %c0_i32 : i32, i32
  }
  func.func @transform_1(%arg0: i32) -> (i32, i32) {
    %c0_i32 = arith.constant 0 : i32
    %c0_i32_0 = arith.constant 0 : i32
    return %arg0, %c0_i32 : i32, i32
  }
  func.func @transform_2(%arg0: i32) -> (i32, i32) {
    %c0_i32 = arith.constant 0 : i32
    %c0_i32_0 = arith.constant 0 : i32
    %c0_i32_1 = arith.constant 0 : i32
    return %c0_i32, %c0_i32_0 : i32, i32
  }
  func.func @transform_3(%arg0: i32) -> (i32, i32) {
    %c0_i32 = arith.constant 0 : i32
    %c0_i32_0 = arith.constant 0 : i32
    %c0_i32_1 = arith.constant 0 : i32
    return %c0_i32, %c0_i32_0 : i32, i32
  }
  func.func @transform_4(%arg0: i32) -> (i32, i32) {
    %c0_i32 = arith.constant 0 : i32
    %c0_i32_0 = arith.constant 0 : i32
    %c0_i32_1 = arith.constant 0 : i32
    return %c0_i32, %c0_i32_0 : i32, i32
  }
  func.func @transform_5(%arg0: i32) -> (i32, i32) {
    %c0_i32 = arith.constant 0 : i32
    %c0_i32_0 = arith.constant 0 : i32
    return %arg0, %c0_i32 : i32, i32
  }
}

</mosaic_0001>

<sc_bundles>
// kernel: kernel.6.cloned.1.call-start
scs
__scs_entry_jumppad:
0x0: {  	(pc) =	sbr.rel $0x88, $3  }
0x1: {  	(tag) =	ssettag $0x0;
	lr =	simm.s32 $0x1  }
0x2: {  	[smem:$0x3F99] =	sst lr;
	_ =	strace $0xD0000000  }
0x3: {  	_ = 	snop  }
0x4: {  	_ = 	snop  }
0x5: {  	_ = 	snop  }
0x6: {  	_ = 	snop  }
0x7: {  	_ = 	snop  }
__scs_overlays_trampoline_lowered:
0x8: {  	[smem:$0x3FA8] =	sst s0  }
0x9: {  	[smem:$0x3FA9] =	sst s1  }
0xa: {  	[smem:$0x3FAA] =	sst s2  }
0xb: {  	[smem:$0x3FAB] =	sst s3  }
0xc: {  	[smem:$0x3FAC] =	sst s4  }
0xd: {  	[smem:$0x3FAD] =	sst s5  }
0xe: {  	[smem:$0x3FAE] =	sst s6  }
0xf: {  	[smem:$0x3FAF] =	sst s7  }
0x10: {  	[smem:$0x3FB0] =	sst s8  }
0x11: {  	[smem:$0x3FB1] =	sst s9;
	s0 =	simm.s32 @!p0 $0x0  }
0x12: {  	s1 =	sld [smem:$0x3F97];
	s0 =	simm.s32 @p0 $0x1  }
0x13: {  	[smem:$0x3FB2] =	sst s0;
	s0 =	simm.s32 @!p1 $0x0  }
0x14: {  	s2 =	sld [smem:$0x3F96];
	s0 =	simm.s32 @p1 $0x1  }
0x15: {  	[smem:$0x3FB3] =	sst s0;
	s0 =	simm.s32 @!p2 $0x0  }
0x16: {  	s3 =	sld [smem:$0x3FDB];
	s0 =	simm.s32 @p2 $0x1  }
0x17: {  	s4 =	simm.s32 $0x1BF5;
	[smem:$0x3FB5] =	sst s0  }
0x18: {  	s0 =	sld [smem:$0x3F98];
	_ =	swait.ge [sflag:s4], $0x0  }
0x19: {  	s7 =	sld [smem:$0x3F99]  }
0x1a: {  	s8 =	sadd.s32 $0xFFFFE003, lr  }
0x1b: {  	s9 =	sadd.s32 $0xFFFFFEF7, lr;
	s5 =	simm.s32 $0xFFFFFFFF;
	p2 =	slt.u32 s8, $0xFFFFF086  }
0x1c: {  	p1 =	slt.u32 s9, $0xF7A;
	s5 =	simm.s32 @!p2 $0x0  }
0x1d: {  	s5 =	simm.s32 @p1 $0x1;
	p0 =	seq.s32 s7, s2  }
0x1e: {  	s7 =	smul.u32 @!p0 $0xF7A, s2;
	p2 =	seq.s32 @!p0 s5, $0x0  }
0x1f: {  	s9 =	smul.u32 $0xF7A, s1;
	s8 =	simm.s32 @!p0 $0x1BF5;
	p2 =	por !p2, p0  }
0x20: {  	[sflag:s8] =	ssyncset.s32 @!p0 $0xFFFFF086;
	s6 =	sadd.s32 @!p0 s3, s7;
	s7 =	simm.s32 @!p0 $0x108  }
0x21: {  	s3 =	sadd.s32 s3, s9;
	s6 =	sadd.s32 @!p0 $0x88, s6;
	s7 =	simm.s32 @p2 $0x1082  }
0x22: {  	[simem:s7], [sflag:s8] =	dma.local @!p0 [hbm:s6], $0xF7A  }
0x23: {  	s9 =	sor.u32 $0xD0000000, s2;
	s6 =	simm.s32 $0x108;
	_ =	swait.ge @!p0 [sflag:s8], $0x0  }
0x24: {  	s3 =	sadd.s32 $0x88, s3;
	s6 =	simm.s32 @!p1 $0x1082;
	[sflag:s4] =	ssyncset.s32 $0xFFFFF086  }
0x25: {  	[simem:s6], [sflag:s4] =	dma.local [hbm:s3], $0xF7A  }
0x26: {  	[smem:$0x3F99] =	sst s1;
	(tag) =	ssettag s2;
	_ =	strace s9  }
0x27: {  	s1 =	sld [smem:$0x3FA9]  }
0x28: {  	s2 =	sld [smem:$0x3FAA]  }
0x29: {  	s4 =	sld [smem:$0x3FAC]  }
0x2a: {  	p0 =	seq.s32 s5, $0x0;
	s5 =	sld [smem:$0x3FAD]  }
0x2b: {  	s6 =	sld [smem:$0x3FAE]  }
0x2c: {  	s7 =	sld [smem:$0x3FAF]  }
0x2d: {  	s3 =	simm.s32 $0x108;
	s8 =	sld [smem:$0x3FB0]  }
0x2e: {  	s3 =	simm.s32 @!p0 $0x1082;
	s9 =	sld [smem:$0x3FB1]  }
0x2f: {  	lr =	sadd.s32 s0, s3;
	s0 =	sld [smem:$0x3FA8]  }
0x30: {  	s3 =	sld [smem:$0x3FAB]  }
0x31: {  	[smem:$0x3FB4] =	sst s10  }
0x32: {  	s10 =	sld [smem:$0x3FB2];
	_ =	sdelay $0x3  }
0x33: {  	p0 =	seq.s32 s10, $0x1;
	s10 =	sld [smem:$0x3FB4];
	_ =	sdelay $0x3  }
0x34: {  	[smem:$0x3FB4] =	sst s10  }
0x35: {  	s10 =	sld [smem:$0x3FB3];
	_ =	sdelay $0x3  }
0x36: {  	p1 =	seq.s32 s10, $0x1;
	s10 =	sld [smem:$0x3FB4];
	_ =	sdelay $0x3  }
0x37: {  	[smem:$0x3FB4] =	sst s10  }
0x38: {  	s10 =	sld [smem:$0x3FB5]  }
0x39: {  	_ = 	snop;
	(pc) =	sbr.ind lr, $3  }
0x3a: {  	_ = 	snop  }
0x3b: {  	_ = 	snop  }
0x3c: {  	p2 =	seq.s32 s10, $0x1;
	s10 =	sld [smem:$0x3FB4]  }
0x3d: {  	_ =	shalt  }
0x3e: {  	_ =	shalt  }
0x3f: {  	_ =	shalt  }
0x40: {  	_ =	shalt  }
0x41: {  	_ =	shalt  }
0x42: {  	_ =	shalt  }
0x43: {  	_ =	shalt  }
0x44: {  	_ =	shalt  }
0x45: {  	_ =	shalt  }
0x46: {  	_ =	shalt  }
0x47: {  	_ =	shalt  }
0x48: {  	_ =	shalt  }
0x49: {  	_ =	shalt  }
0x4a: {  	_ =	shalt  }
0x4b: {  	_ =	shalt  }
0x4c: {  	_ =	shalt  }
0x4d: {  	_ =	shalt  }
0x4e: {  	_ =	shalt  }
0x4f: {  	_ =	shalt  }
0x50: {  	_ =	shalt  }
0x51: {  	_ =	shalt  }
0x52: {  	_ =	shalt  }
0x53: {  	_ =	shalt  }
0x54: {  	_ =	shalt  }
0x55: {  	_ =	shalt  }
0x56: {  	_ =	shalt  }
0x57: {  	_ =	shalt  }
0x58: {  	_ =	shalt  }
0x59: {  	_ =	shalt  }
0x5a: {  	_ =	shalt  }
0x5b: {  	_ =	shalt  }
0x5c: {  	_ =	shalt  }
0x5d: {  	_ =	shalt  }
0x5e: {  	_ =	shalt  }
0x5f: {  	_ =	shalt  }
0x60: {  	_ =	shalt  }
0x61: {  	_ =	shalt  }
0x62: {  	_ =	shalt  }
0x63: {  	_ =	shalt  }
0x64: {  	_ =	shalt  }
0x65: {  	_ =	shalt  }
0x66: {  	_ =	shalt  }
0x67: {  	_ =	shalt  }
0x68: {  	_ =	shalt  }
0x69: {  	_ =	shalt  }
0x6a: {  	_ =	shalt  }
0x6b: {  	_ =	shalt  }
0x6c: {  	_ =	shalt  }
0x6d: {  	_ =	shalt  }
0x6e: {  	_ =	shalt  }
0x6f: {  	_ =	shalt  }
0x70: {  	_ =	shalt  }
0x71: {  	_ =	shalt  }
0x72: {  	_ =	shalt  }
0x73: {  	_ =	shalt  }
0x74: {  	_ =	shalt  }
0x75: {  	_ =	shalt  }
0x76: {  	_ =	shalt  }
0x77: {  	_ =	shalt  }
0x78: {  	_ =	shalt  }
0x79: {  	_ =	shalt  }
0x7a: {  	_ =	shalt  }
0x7b: {  	_ =	shalt  }
0x7c: {  	_ =	shalt  }
0x7d: {  	_ =	shalt  }
0x7e: {  	_ =	shalt  }
0x7f: {  	_ =	shalt  }
0x80: {  	_ =	shalt  }
0x81: {  	_ =	shalt  }
0x82: {  	_ =	shalt  }
0x83: {  	_ =	shalt  }
0x84: {  	_ =	shalt  }
0x85: {  	_ =	shalt  }
0x86: {  	_ =	shalt  }
0x87: {  	_ =	shalt  }
.Lfunc_end0:
.L_simem_size_0:
called_computation_lowered:
.L_overlay_start_0:
0x88: {  	s2 =	sld [smem:$0x3FD9]  }
0x89: {  	s3 =	sld [smem:$0x3FFE];
	_ =	sdelay $0x1  }
0x8a: {  	s1 =	srdreg.scid  }
0x8b: {  	s0 =	sand.u32 $0x1, s1  }
0x8c: {  	s17 =	sshll.u32 s0, $0xA;
	s2 =	sadd.s32 s3, s2  }
0x8d: {  	s2 =	sadd.s32 s2, s17  }
0x8e: {  	[smem:$0x3FC0] =	sst s2  }
0x8f: {  	_ = 	snop  }
0x90: {  	s2 =	sld [smem:$0x3FD0];
	(tm) =	ssettm $0x1  }
0x91: {  	s18 =	sld [smem:$0x3FFB];
	_ =	sdelay $0x3  }
0x92: {  	_ =	strace s18  }
0x93: {  	s3 =	sld [smem:$0x3FFC];
	_ =	sdelay $0x3  }
0x94: {  	_ =	strace s3  }
0x95: {  	s3 =	sld [smem:$0x3FFD];
	_ =	sdelay $0x3  }
0x96: {  	_ =	strace s3  }
0x97: {  	_ =	strace $0x8FFFFFFF  }
0x98: {  	s19 =	sld [smem:$0x3FDB];
	_ =	sdelay $0x1  }
0x99: {  	s4 =	simm.s32 $_scs_section_size  }
0x9a: {  	s5 =	simm.s32 $_size__tile_overlayer_lowered;
	s6 =	simm.s32 $_tile_overlayer_lowered  }
0x9b: {  	s22 =	simm.s32 $0x1BFF;
	s21 =	sshll.u32 s6, $0x1;
	s3 =	sadd.s32 s4, s19  }
0x9c: {  	s7 =	simm.s32 $0x0;
	s20 =	sshll.u32 s5, $0x1;
	s5 =	sadd.s32 s21, s3  }
0x9d: {  	[timem:s7], [sflag:s22] =	dma.local [hbm:s5], s20  }
0x9e: {  	_ =	swait.ge [sflag:s22], s20  }
0x9f: {  	s4 =	ssub.s32 $0x0, s20;
	[sflag:s22] =	ssyncset.done $0x0  }
0xa0: {  	[sflag:s22] =	ssyncadd.s32 s4;
	_ =	sdelay $0x1  }
0xa1: {  	s23 =	simm.s32 $0x1B8B  }
0xa2: {  	_ =	swait.ge [sflag:s23], $0x1  }
0xa3: {  	[sflag:s23] =	ssyncset.done $0x0  }
0xa4: {  	s25 =	simm.s32 $0x1B8E;
	s24 =	sld [smem:$0x3FFE];
	[sflag:s23] =	ssyncadd.s32 $0xFFFFFFFF  }
0xa5: {  	s26 =	simm.s32 $execute0_lowered;
	[smem:$0x3FD2] =	sst s25  }
0xa6: {  	s5 =	sshll.u32 s26, $0x1;
	_ =	strace $0x80000046;
	[dreg:$0x1] =	wrdreg $0xFFFFFFFF  }
0xa7: {  	s28 =	simm.s32 $_size_execute0_lowered;
	s3 =	sadd.s32 s3, s5;
	[dreg:$0x0] =	wrdreg $0x0  }
0xa8: {  	s5 =	sshll.u32 s28, $0x1;
	[dreg:$0x2] =	wrdreg s3  }
0xa9: {  	[dreg:$0x3] =	wrdreg s5  }
0xaa: {  	[dreg:$0x4] =	wrdreg $0xC0  }
0xab: {  	_ =	task [dreg:s7], $0x5FFFF  }
0xac: {  	[dreg:$0x1] =	wrdreg $0xFFFFFFFF  }
0xad: {  	[dreg:$0x0] =	wrdreg $0x60  }
0xae: {  	[dreg:$0x2] =	wrdreg s24  }
0xaf: {  	[dreg:$0x3] =	wrdreg s2  }
0xb0: {  	[dreg:$0x4] =	wrdreg $0x9  }
0xb1: {  	_ =	task.clear_ibuf [dreg:s7], $0x5FFFF;
	_ =	strace $0x90000046  }
0xb2: {  	s29 =	simm.s32 $0x9;
	_ =	strace $0x80000048  }
0xb3: {  	_ =	swait.ge [sflag:s29], $0x1  }
0xb4: {  	[sflag:s29] =	ssyncadd.s32 $0xFFFFFFFF  }
0xb5: {  	_ =	strace $0x90000048  }
0xb6: {  	_ =	sfence  }
0xb7: {  	s30 =	sld [smem:$0x0];
	_ =	sdelay $0x2  }
0xb8: {  	s31 =	sshll.u32 s1, $0xD;
	s1 =	sshrl.u32 s1, $0x2  }
0xb9: {  	s3 =	sand.u32 $0x4000, s31;
	s1 =	sadd.s32 s1, s30  }
0xba: {  	s0 =	sor.u32 s3, s0;
	s1 =	sshll.u32 s1, $0x11  }
0xbb: {  	s0 =	sor.u32 s1, s0  }
0xbc: {  	s0 =	sadd.s32 $0x8F2B, s0  }
0xbd: {  	[sflag:s0] =	ssyncadd.remote.s32 $0x1  }
0xbe: {  	_ =	sfence.sel $0xFFFF  }
0xbf: {  	[dreg:$0x0] =	wrdreg $0xFFFFFFFF;
	(pc) =	sbr.abs _section_cstart, $3  }
0xc0: {  	[dreg:$0x1] =	wrdreg $0xFFFFFFFF  }
0xc1: {  	_ =	task.clear_ibuf [dreg:s7], $0x2FFFF;
	_ =	strace $0x9FFFFFFF  }
0xc2: {  	(tm) =	ssettm $0x7FFFFFFF  }
0xc3: {  	_ =	shalt  }
tec
execute0_lowered:
.L_overlay_start_1:
0x0: {  	(tag) =	ssettag $0x1  }
0x1: {  	s0 =	rddreg [dreg:$0x0]  }
0x2: {  	s1 =	srdreg.scid;
	s8 =	stileid.u32  }
0x3: {  	s2 =	rddreg [dreg:$0x1];
	s3 =	simm.s32 $0x0;
	s10 =	simm.s32 $0x2  }
0x4: {  	s11 =	simm.s32 $0x80;
	s12 =	simm.s32 $0x400;
	s13 =	simm.s32 $0x2C00  }
0x5: {  	s14 =	simm.s32 $0x100;
	s15 =	simm.s32 $0x5400;
	s16 =	simm.s32 $0x180  }
0x6: {  	s17 =	simm.s32 $0x7C00;
	s18 =	simm.s32 $0x200;
	s19 =	simm.s32 $0xA400  }
0x7: {  	s20 =	simm.s32 $0x280;
	s21 =	simm.s32 $0xCC00;
	s22 =	simm.s32 $0x300  }
0x8: {  	s23 =	simm.s32 $0xF400;
	s24 =	simm.s32 $0x380;
	s25 =	simm.s32 $0x11C00  }
0x9: {  	s26 =	simm.s32 $0x1;
	s28 =	simm.s32 $0x14400;
	s4 =	smul.u32 $0x5000, s8  }
0xa: {  	s1 =	sand.u32 $0x1, s1;
	s6 =	sshll.u32 s8, $0x1;
	s8 =	smul.u32 $0x32000, s8  }
0xb: {  	s29 =	simm.s32 $0x14600;
	[smem:$0x7FF] =	sst s3;
	s5 =	smul.u32 $0x2800, s1  }
0xc: {  	_ =	strace $0x80000047;
	s6 =	sor.u32 s1, s6;
	s9 =	ssub.s32 $0x2, s1  }
0xd: {  	s1 =	smul.u32 $0x19000, s1;
	s7 =	sshll.u32 s6, $0x6;
	s6 =	sshll.u32 s6, $0xC  }
0xe: {  	s8 =	sadd.s32 s8, s0;
	s30 =	sshrl.u32 s9, $0x1;
	s5 =	sadd.s32 s5, s4  }
0xf: {  	s4 =	sadd.s32 $0x42000, s0;
	s7 =	sadd.s32 s7, s0;
	s9 =	ssub.s32 s9, s30  }
0x10: {  	s1 =	sadd.s32 s1, s8;
	s5 =	sshrl.u32 s5, $0x3;
	s31 =	sadd.s32 $0x74000, s7  }
0x11: {  	s7 =	smax.u32 s9, $0x1;
	s5 =	sadd.s32 s5, s0;
	s0 =	sadd.s32 s6, s0  }
0x12: {  	s8 =	sadd.s32 $0x74800, s1;
	[dreg:$0x3] =	wrdreg s31;
	s0 =	sadd.s32 $0x394800, s0  }
0x13: {  	s1 =	simm.s32 $0x0;
	s9 =	sadd.s32 $0x6A000, s5;
	[dreg:$0x4] =	wrdreg s0  }
.LBB2_1:
0x14: {  	s0 =	sadd.s32 $0x0, s9  }
0x15: {  	[tilespmem:s3], [sflag:$0x2] =	stream.linear.gather [hbm4b:s0+s3], $0x400, $0x38;
	[tilespmem:$0x1C600] =	vst v63  }
0x16: {  	_ =	swait.ge [sflag:s10], $0x400  }
0x17: {  	[sflag:s10] =	ssyncset.done $0x0  }
0x18: {  	[sflag:s10] =	ssyncadd.s32 $0xFFFFFC00  }
0x19: {  	[tilespmem:s12], [sflag:$0x1] =	stream.indirect.gather [hbm4b:s4+s11], $0x50, s3, s11, $0xb8;
	[tilespmem:$0x1C600] =	vst v63  }
0x1a: {  	_ = 	snop  }
0x1b: {  	[tilespmem:s13], [sflag:$0x1] =	stream.indirect.gather [hbm4b:s4+s11], $0x50, s11, s11, $0xb8;
	[tilespmem:$0x1C600] =	vst v63  }
0x1c: {  	_ = 	snop  }
0x1d: {  	[tilespmem:s15], [sflag:$0x1] =	stream.indirect.gather [hbm4b:s4+s11], $0x50, s14, s11, $0xb8;
	[tilespmem:$0x1C600] =	vst v63  }
0x1e: {  	_ = 	snop  }
0x1f: {  	[tilespmem:s17], [sflag:$0x1] =	stream.indirect.gather [hbm4b:s4+s11], $0x50, s16, s11, $0xb8;
	[tilespmem:$0x1C600] =	vst v63  }
0x20: {  	_ = 	snop  }
0x21: {  	[tilespmem:s19], [sflag:$0x1] =	stream.indirect.gather [hbm4b:s4+s11], $0x50, s18, s11, $0xb8;
	[tilespmem:$0x1C600] =	vst v63  }
0x22: {  	_ = 	snop  }
0x23: {  	[tilespmem:s21], [sflag:$0x1] =	stream.indirect.gather [hbm4b:s4+s11], $0x50, s20, s11, $0xb8;
	[tilespmem:$0x1C600] =	vst v63  }
0x24: {  	_ = 	snop  }
0x25: {  	[tilespmem:s23], [sflag:$0x1] =	stream.indirect.gather [hbm4b:s4+s11], $0x50, s22, s11, $0xb8;
	[tilespmem:$0x1C600] =	vst v63  }
0x26: {  	_ = 	snop  }
0x27: {  	[tilespmem:s25], [sflag:$0x1] =	stream.indirect.gather [hbm4b:s4+s11], $0x50, s24, s11, $0xb8;
	[tilespmem:$0x1C600] =	vst v63  }
0x28: {  	_ =	swait.ge [sflag:s26], $0x2800  }
0x29: {  	[sflag:s26] =	ssyncset.done $0x0  }
0x2a: {  	[sflag:s26] =	ssyncadd.s32 $0xFFFFD800  }
0x2b: {  	_ =	swait.ge [sflag:s26], $0x2800  }
0x2c: {  	[sflag:s26] =	ssyncset.done $0x0  }
0x2d: {  	[sflag:s26] =	ssyncadd.s32 $0xFFFFD800  }
0x2e: {  	_ =	swait.ge [sflag:s26], $0x2800  }
0x2f: {  	[sflag:s26] =	ssyncset.done $0x0  }
0x30: {  	[sflag:s26] =	ssyncadd.s32 $0xFFFFD800  }
0x31: {  	_ =	swait.ge [sflag:s26], $0x2800  }
0x32: {  	[sflag:s26] =	ssyncset.done $0x0  }
0x33: {  	[sflag:s26] =	ssyncadd.s32 $0xFFFFD800  }
0x34: {  	_ =	swait.ge [sflag:s26], $0x2800  }
0x35: {  	[sflag:s26] =	ssyncset.done $0x0  }
0x36: {  	[sflag:s26] =	ssyncadd.s32 $0xFFFFD800  }
0x37: {  	_ =	swait.ge [sflag:s26], $0x2800  }
0x38: {  	[sflag:s26] =	ssyncset.done $0x0  }
0x39: {  	[sflag:s26] =	ssyncadd.s32 $0xFFFFD800  }
0x3a: {  	_ =	swait.ge [sflag:s26], $0x2800  }
0x3b: {  	[sflag:s26] =	ssyncset.done $0x0  }
0x3c: {  	[sflag:s26] =	ssyncadd.s32 $0xFFFFD800  }
0x3d: {  	_ =	swait.ge [sflag:s26], $0x2800  }
0x3e: {  	[sflag:s26] =	ssyncset.done $0x0  }
0x3f: {  	[sflag:s26] =	ssyncadd.s32 $0xFFFFD800  }
0x40: {  	[hbm4b:s8+s3] =	stream.linear.scatter [tilespmem:s12], [sflag:$0x2], $0x14000, $0x38;
	[tilespmem:$0x1C600] =	vst v63  }
0x41: {  	s30 =	simm.s32 $0x80;
	_ =	swait.ge [sflag:s10], $0x14000  }
0x42: {  	s31 =	simm.s32 $0x100;
	s0 =	sadd.s32 $0x2800, s8;
	[sflag:s10] =	ssyncset.done $0x0  }
.LBB2_2:
0x43: {  	s6 =	sadd.s32 s30, s9  }
0x44: {  	[sflag:s10] =	ssyncadd.s32 $0xFFFEC000;
	s30 =	smov.u32 s31;
	s5 =	sadd.s32 $0x80, s31  }
0x45: {  	[tilespmem:s3], [sflag:$0x2] =	stream.linear.gather [hbm4b:s6+s3], $0x400, $0x38;
	[tilespmem:$0x1C600] =	vst v63  }
0x46: {  	p0 =	sne.s32 s31, $0x480;
	_ =	swait.ge [sflag:s10], $0x400  }
0x47: {  	[sflag:s10] =	ssyncset.done $0x0  }
0x48: {  	[sflag:s10] =	ssyncadd.s32 $0xFFFFFC00  }
0x49: {  	[tilespmem:s12], [sflag:$0x1] =	stream.indirect.gather [hbm4b:s4+s11], $0x50, s3, s11, $0xb8;
	[tilespmem:$0x1C600] =	vst v63  }
0x4a: {  	_ = 	snop  }
0x4b: {  	[tilespmem:s13], [sflag:$0x1] =	stream.indirect.gather [hbm4b:s4+s11], $0x50, s11, s11, $0xb8;
	[tilespmem:$0x1C600] =	vst v63  }
0x4c: {  	_ = 	snop  }
0x4d: {  	[tilespmem:s15], [sflag:$0x1] =	stream.indirect.gather [hbm4b:s4+s11], $0x50, s14, s11, $0xb8;
	[tilespmem:$0x1C600] =	vst v63  }
0x4e: {  	_ = 	snop  }
0x4f: {  	[tilespmem:s17], [sflag:$0x1] =	stream.indirect.gather [hbm4b:s4+s11], $0x50, s16, s11, $0xb8;
	[tilespmem:$0x1C600] =	vst v63  }
0x50: {  	_ = 	snop  }
0x51: {  	[tilespmem:s19], [sflag:$0x1] =	stream.indirect.gather [hbm4b:s4+s11], $0x50, s18, s11, $0xb8;
	[tilespmem:$0x1C600] =	vst v63  }
0x52: {  	_ = 	snop  }
0x53: {  	[tilespmem:s21], [sflag:$0x1] =	stream.indirect.gather [hbm4b:s4+s11], $0x50, s20, s11, $0xb8;
	[tilespmem:$0x1C600] =	vst v63  }
0x54: {  	_ = 	snop  }
0x55: {  	[tilespmem:s23], [sflag:$0x1] =	stream.indirect.gather [hbm4b:s4+s11], $0x50, s22, s11, $0xb8;
	[tilespmem:$0x1C600] =	vst v63  }
0x56: {  	_ = 	snop  }
0x57: {  	[tilespmem:s25], [sflag:$0x1] =	stream.indirect.gather [hbm4b:s4+s11], $0x50, s24, s11, $0xb8;
	[tilespmem:$0x1C600] =	vst v63  }
0x58: {  	_ =	swait.ge [sflag:s26], $0x2800  }
0x59: {  	[sflag:s26] =	ssyncset.done $0x0  }
0x5a: {  	[sflag:s26] =	ssyncadd.s32 $0xFFFFD800  }
0x5b: {  	_ =	swait.ge [sflag:s26], $0x2800  }
0x5c: {  	[sflag:s26] =	ssyncset.done $0x0  }
0x5d: {  	[sflag:s26] =	ssyncadd.s32 $0xFFFFD800  }
0x5e: {  	_ =	swait.ge [sflag:s26], $0x2800  }
0x5f: {  	[sflag:s26] =	ssyncset.done $0x0  }
0x60: {  	[sflag:s26] =	ssyncadd.s32 $0xFFFFD800  }
0x61: {  	_ =	swait.ge [sflag:s26], $0x2800  }
0x62: {  	[sflag:s26] =	ssyncset.done $0x0  }
0x63: {  	[sflag:s26] =	ssyncadd.s32 $0xFFFFD800  }
0x64: {  	_ =	swait.ge [sflag:s26], $0x2800  }
0x65: {  	[sflag:s26] =	ssyncset.done $0x0  }
0x66: {  	[sflag:s26] =	ssyncadd.s32 $0xFFFFD800  }
0x67: {  	_ =	swait.ge [sflag:s26], $0x2800  }
0x68: {  	[sflag:s26] =	ssyncset.done $0x0  }
0x69: {  	[sflag:s26] =	ssyncadd.s32 $0xFFFFD800  }
0x6a: {  	_ =	swait.ge [sflag:s26], $0x2800  }
0x6b: {  	[sflag:s26] =	ssyncset.done $0x0  }
0x6c: {  	[sflag:s26] =	ssyncadd.s32 $0xFFFFD800  }
0x6d: {  	_ =	swait.ge [sflag:s26], $0x2800  }
.Ltmp0:
0x6e: {  	[sflag:s26] =	ssyncset.done $0x0;
	(pc) =	sbr.rel @p0 .LBB2_2-.Ltmp0, $4  }
0x6f: {  	[sflag:s26] =	ssyncadd.s32 $0xFFFFD800  }
0x70: {  	[hbm4b:s0+s3] =	stream.linear.scatter [tilespmem:s12], [sflag:$0x2], $0x14000, $0x38;
	[tilespmem:$0x1C600] =	vst v63  }
0x71: {  	_ =	swait.ge [sflag:s10], $0x14000  }
0x72: {  	s31 =	smov.u32 s5;
	s0 =	sadd.s32 $0x2800, s0;
	[sflag:s10] =	ssyncset.done $0x0  }
0x73: {  	s5 =	sadd.s32 s30, s9;
	[sflag:s10] =	ssyncadd.s32 $0xFFFEC000  }
0x74: {  	[tilespmem:s3], [sflag:$0x2] =	stream.linear.gather [hbm4b:s5+s3], $0x400, $0x38;
	[tilespmem:$0x1C600] =	vst v63  }
0x75: {  	_ =	swait.ge [sflag:s10], $0x400  }
0x76: {  	[sflag:s10] =	ssyncset.done $0x0  }
0x77: {  	[sflag:s10] =	ssyncadd.s32 $0xFFFFFC00  }
0x78: {  	[tilespmem:s12], [sflag:$0x1] =	stream.indirect.gather [hbm4b:s4+s11], $0x50, s3, s11, $0xb8;
	[tilespmem:$0x1C600] =	vst v63  }
0x79: {  	_ = 	snop  }
0x7a: {  	[tilespmem:s13], [sflag:$0x1] =	stream.indirect.gather [hbm4b:s4+s11], $0x50, s11, s11, $0xb8;
	[tilespmem:$0x1C600] =	vst v63  }
0x7b: {  	_ = 	snop  }
0x7c: {  	[tilespmem:s15], [sflag:$0x1] =	stream.indirect.gather [hbm4b:s4+s11], $0x50, s14, s11, $0xb8;
	[tilespmem:$0x1C600] =	vst v63  }
0x7d: {  	_ = 	snop  }
0x7e: {  	[tilespmem:s17], [sflag:$0x1] =	stream.indirect.gather [hbm4b:s4+s11], $0x50, s16, s11, $0xb8;
	[tilespmem:$0x1C600] =	vst v63  }
0x7f: {  	_ = 	snop  }
0x80: {  	[tilespmem:s19], [sflag:$0x1] =	stream.indirect.gather [hbm4b:s4+s11], $0x50, s18, s11, $0xb8;
	[tilespmem:$0x1C600] =	vst v63  }
0x81: {  	_ = 	snop  }
0x82: {  	[tilespmem:s21], [sflag:$0x1] =	stream.indirect.gather [hbm4b:s4+s11], $0x50, s20, s11, $0xb8;
	[tilespmem:$0x1C600] =	vst v63  }
0x83: {  	_ = 	snop  }
0x84: {  	[tilespmem:s23], [sflag:$0x1] =	stream.indirect.gather [hbm4b:s4+s11], $0x50, s22, s11, $0xb8;
	[tilespmem:$0x1C600] =	vst v63  }
0x85: {  	_ = 	snop  }
0x86: {  	[tilespmem:s25], [sflag:$0x1] =	stream.indirect.gather [hbm4b:s4+s11], $0x50, s24, s11, $0xb8;
	[tilespmem:$0x1C600] =	vst v63  }
0x87: {  	_ =	swait.ge [sflag:s26], $0x2800  }
0x88: {  	[sflag:s26] =	ssyncset.done $0x0  }
0x89: {  	[sflag:s26] =	ssyncadd.s32 $0xFFFFD800  }
0x8a: {  	_ =	swait.ge [sflag:s26], $0x2800  }
0x8b: {  	[sflag:s26] =	ssyncset.done $0x0  }
0x8c: {  	[sflag:s26] =	ssyncadd.s32 $0xFFFFD800  }
0x8d: {  	_ =	swait.ge [sflag:s26], $0x2800  }
0x8e: {  	[sflag:s26] =	ssyncset.done $0x0  }
0x8f: {  	[sflag:s26] =	ssyncadd.s32 $0xFFFFD800  }
0x90: {  	_ =	swait.ge [sflag:s26], $0x2800  }
0x91: {  	[sflag:s26] =	ssyncset.done $0x0  }
0x92: {  	[sflag:s26] =	ssyncadd.s32 $0xFFFFD800  }
0x93: {  	_ =	swait.ge [sflag:s26], $0x2800  }
0x94: {  	[sflag:s26] =	ssyncset.done $0x0  }
0x95: {  	[sflag:s26] =	ssyncadd.s32 $0xFFFFD800  }
0x96: {  	_ =	swait.ge [sflag:s26], $0x2800  }
0x97: {  	[sflag:s26] =	ssyncset.done $0x0  }
0x98: {  	[sflag:s26] =	ssyncadd.s32 $0xFFFFD800  }
0x99: {  	_ =	swait.ge [sflag:s26], $0x2800  }
0x9a: {  	[sflag:s26] =	ssyncset.done $0x0  }
0x9b: {  	[sflag:s26] =	ssyncadd.s32 $0xFFFFD800  }
0x9c: {  	_ =	swait.ge [sflag:s26], $0x2800  }
0x9d: {  	[sflag:s26] =	ssyncset.done $0x0  }
0x9e: {  	[sflag:s26] =	ssyncadd.s32 $0xFFFFD800  }
0x9f: {  	[hbm4b:s0+s3] =	stream.linear.scatter [tilespmem:s12], [sflag:$0x2], $0x14000, $0x38;
	[tilespmem:$0x1C600] =	vst v63  }
0xa0: {  	_ =	swait.ge [sflag:s10], $0x14000  }
0xa1: {  	[sflag:s10] =	ssyncset.done $0x0  }
0xa2: {  	s31 =	rddreg [dreg:$0x3];
	[sflag:s10] =	ssyncadd.s32 $0xFFFEC000  }
0xa3: {  	[tilespmem:s28], [sflag:$0x2] =	stream.linear.gather [hbm4b:s31+s3], $0x200, $0x38;
	[tilespmem:$0x1C600] =	vst v63  }
0xa4: {  	_ =	swait.ge [sflag:s10], $0x200  }
0xa5: {  	[sflag:s10] =	ssyncset.done $0x0  }
0xa6: {  	[sflag:s10] =	ssyncadd.s32 $0xFFFFFE00  }
0xa7: {  	[tilespmem:s29], [sflag:$0x1] =	stream.indirect.gather [hbm4b:s2+s11], $0x40, s28, s11, $0xb8;
	[tilespmem:$0x1C600] =	vst v63  }
0xa8: {  	s6 =	simm.s32 $0x16600;
	s5 =	simm.s32 $0x14480  }
0xa9: {  	[tilespmem:s6], [sflag:$0x1] =	stream.indirect.gather [hbm4b:s2+s11], $0x40, s5, s11, $0xb8;
	[tilespmem:$0x1C600] =	vst v63  }
0xaa: {  	s30 =	simm.s32 $0x14500;
	s31 =	simm.s32 $0x18600  }
0xab: {  	[tilespmem:s31], [sflag:$0x1] =	stream.indirect.gather [hbm4b:s2+s11], $0x40, s30, s11, $0xb8;
	[tilespmem:$0x1C600] =	vst v63  }
0xac: {  	s6 =	simm.s32 $0x14580;
	s30 =	simm.s32 $0x1A600  }
0xad: {  	[tilespmem:s30], [sflag:$0x1] =	stream.indirect.gather [hbm4b:s2+s11], $0x40, s6, s11, $0xb8;
	[tilespmem:$0x1C600] =	vst v63  }
0xae: {  	_ =	swait.ge [sflag:s26], $0x2000  }
0xaf: {  	[sflag:s26] =	ssyncset.done $0x0  }
0xb0: {  	[sflag:s26] =	ssyncadd.s32 $0xFFFFE000  }
0xb1: {  	_ =	swait.ge [sflag:s26], $0x2000  }
0xb2: {  	[sflag:s26] =	ssyncset.done $0x0  }
0xb3: {  	[sflag:s26] =	ssyncadd.s32 $0xFFFFE000  }
0xb4: {  	_ =	swait.ge [sflag:s26], $0x2000  }
0xb5: {  	[sflag:s26] =	ssyncset.done $0x0  }
0xb6: {  	[sflag:s26] =	ssyncadd.s32 $0xFFFFE000  }
0xb7: {  	s1 =	sadd.s32 $0x1, s1;
	_ =	swait.ge [sflag:s26], $0x2000  }
0xb8: {  	p0 =	sne.s32 s1, s7;
	[sflag:s26] =	ssyncset.done $0x0  }
.Ltmp1:
0xb9: {  	s31 =	rddreg [dreg:$0x4];
	[sflag:s26] =	ssyncadd.s32 $0xFFFFE000;
	(pc) =	sbr.rel @p0 .LBB2_1-.Ltmp1, $4  }
0xba: {  	[hbm4b:s31+s3] =	stream.linear.scatter [tilespmem:s29], [sflag:$0x2], $0x8000, $0x38;
	[tilespmem:$0x1C600] =	vst v63  }
0xbb: {  	_ =	swait.ge [sflag:s10], $0x8000  }
0xbc: {  	[sflag:s10] =	ssyncset.done $0x0  }
0xbd: {  	[sflag:s10] =	ssyncadd.s32 $0xFFFF8000  }
0xbe: {  	_ =	sfence.sel $0x180000  }
0xbf: {  	[bflag:$0x0] =	sbarrier.arrive $0xFFFF  }
0xc0: {  	_ =	strace $0x90000047  }
0xc1: {  	s0 =	stileid.u32;
	[bflag:$0x2] =	sbarrier.arrive $0xFFFF  }
0xc2: {  	p0 =	sne.s32 s0, $0x0;
	s0 =	rddreg [dreg:$0x2]  }
0xc3: {  	s0 =	sadd.s32 @!p0 $0x100000, s0  }
0xc4: {  	[sflag:s0] =	ssyncadd.tile.s32 @!p0 $0x1;
	_ =	shalt  }
.Lfunc_end2:
_tile_overlayer_lowered:
.L_overlay_start_2:
0xc5: {  	(tag) =	ssettag $0x2  }
0xc6: {  	s0 =	rddreg [dreg:$0x0];
	s2 =	stileid.u32  }
0xc7: {  	s1 =	rddreg [dreg:$0x1];
	p0 =	sne.s32 s2, $0x0  }
0xc8: {  	s3 =	rddreg [dreg:$0x2];
	[bflag:$0x3] =	sbarrier.arrive $0xFFFF;
	s2 =	simm.s32 @!p0 $0x1C02  }
0xc9: {  	[timem:s3], [sflag:s2] =	dma.local @!p0 [hbm:s0], s1  }
0xca: {  	s0 =	simm.s32 @!p0 $0x2  }
0xcb: {  	_ =	swait.ge @!p0 [sflag:s0], s1  }
0xcc: {  	s1 =	ssub.s32 @!p0 $0x0, s1;
	[sflag:s0] =	ssyncset.done @!p0 $0x0  }
0xcd: {  	[sflag:s0] =	ssyncadd.s32 @!p0 s1  }
0xce: {  	[bflag:$0x3] =	sbarrier.arrive $0xFFFF  }
0xcf: {  	_ =	shalt  }

</sc_bundles>
